<compile_context>
chip_gen: v7x
topology: tpu7x:2x2x1
jax: 0.10.2.dev20260603
libtpu: 0.0.44.dev20260713+nightly
codegen_flags: <defaults>
</compile_context>

<pallas_src>
import functools

import jax
import jax.numpy as jnp
from jax import lax
from jax.experimental import pallas as pl
from jax.experimental.pallas import tpu as pltpu
from jax.experimental.pallas import tpu_sc as plsc

_NUM_EMB = 128
_DIM = 64
_BATCH = 64
_SEQ = 1024
_P = 8
_NSTEPS = _BATCH // _P
_N_ROWS = _BATCH * _SEQ
_INV_ND = 1.0 / (_N_ROWS * _DIM)


def _vq_body(x_ref, cb_ref, idx_ref, loss_ref, perp_ref,
             counts_acc, loss_acc):
    i = pl.program_id(0)
    cb = cb_ref[...]
    c2 = jnp.sum(cb * cb, axis=1, keepdims=True)
    rev = 128.0 - jax.lax.broadcasted_iota(
        jnp.int32, (_NUM_EMB, 1), 0).astype(jnp.float32)
    ones_s = jnp.ones((_SEQ, 1), jnp.float32)

    @pl.when(i == 0)
    def _init():
        counts_acc[...] = jnp.zeros_like(counts_acc)
        loss_acc[...] = jnp.zeros_like(loss_acc)

    counts_new = counts_acc[...]
    loss_new = loss_acc[...]

    for p in range(_P):
        xt = x_ref[p]
        x2 = jnp.sum(xt * xt, axis=0, keepdims=True)
        mm = jax.lax.dot_general(cb, xt, (((1,), (0,)), ((), ())),
                                 preferred_element_type=jnp.float32)
        d = (x2 + c2) - 2.0 * mm
        min_d = jnp.min(d, axis=0, keepdims=True)
        t = jnp.where(d == min_d, rev, 0.0)
        rmax = jnp.max(t, axis=0, keepdims=True)
        oh = jnp.where(t == rmax, 1.0, 0.0)
        idx_ref[pl.ds(p * _SEQ, _SEQ)] = (
            (128.0 - rmax).astype(jnp.int32).reshape(_SEQ))
        counts_new += jax.lax.dot_general(
            oh, ones_s, (((1,), (0,)), ((), ())),
            preferred_element_type=jnp.float32)
        loss_new += jax.lax.dot_general(
            min_d, ones_s, (((1,), (0,)), ((), ())),
            preferred_element_type=jnp.float32)

    counts_acc[...] = counts_new
    loss_acc[...] = loss_new

    @pl.when(i == _NSTEPS - 1)
    def _finalize():
        loss_ref[...] = 1.25 * _INV_ND * loss_acc[...]
        avg = counts_acc[...] * (1.0 / _N_ROWS)
        ent = jnp.sum(avg * jnp.log(avg + 1e-10), axis=0, keepdims=True)
        perp_ref[...] = jnp.exp(-ent)


def _tc_call(xt, codebook):
    return pl.pallas_call(
        _vq_body,
        grid=(_NSTEPS,),
        in_specs=[
            pl.BlockSpec((_P, _DIM, _SEQ), lambda i: (i, 0, 0)),
            pl.BlockSpec((_NUM_EMB, _DIM), lambda i: (0, 0)),
        ],
        out_specs=[
            pl.BlockSpec((_P * _SEQ,), lambda i: (i,)),
            pl.BlockSpec((1, 1), lambda i: (0, 0)),
            pl.BlockSpec((1, 1), lambda i: (0, 0)),
        ],
        out_shape=[
            jax.ShapeDtypeStruct((_N_ROWS,), jnp.int32),
            jax.ShapeDtypeStruct((1, 1), jnp.float32),
            jax.ShapeDtypeStruct((1, 1), jnp.float32),
        ],
        scratch_shapes=[
            pltpu.VMEM((_NUM_EMB, 1), jnp.float32),
            pltpu.VMEM((1, 1), jnp.float32),
        ],
        compiler_params=pltpu.CompilerParams(
            dimension_semantics=("arbitrary",)),
    )(xt, codebook)


_NW = 32
_ROWS_PER_W = _N_ROWS // _NW
_CHUNK = 128
_NCHUNK = _ROWS_PER_W // _CHUNK


def _sc_gather(cb, idx):
    mesh = plsc.VectorSubcoreMesh(core_axis_name="c", subcore_axis_name="s")

    @functools.partial(
        pl.kernel,
        out_type=jax.ShapeDtypeStruct((_N_ROWS, _NUM_EMB), jnp.float32),
        mesh=mesh,
        scratch_types=[
            pltpu.VMEM((_CHUNK,), jnp.int32),
            pltpu.VMEM((_CHUNK, _NUM_EMB), jnp.float32),
            pltpu.SemaphoreType.DMA,
        ],
    )
    def k(cb_hbm, idx_hbm, out_hbm, idx_v, rows_v, sem):
        wid = lax.axis_index("s") * 2 + lax.axis_index("c")
        base = wid * _ROWS_PER_W

        def body(kk, _):
            off = base + kk * _CHUNK
            pltpu.sync_copy(idx_hbm.at[pl.ds(off, _CHUNK)], idx_v)
            pltpu.async_copy(cb_hbm.at[idx_v], rows_v, sem).wait()
            pltpu.sync_copy(rows_v, out_hbm.at[pl.ds(off, _CHUNK)])
            return ()

        lax.fori_loop(0, _NCHUNK, body, ())

    return k(cb, idx)


def kernel(inputs, codebook):
    xt = jnp.transpose(inputs, (0, 2, 1))
    idx, loss, perp = _tc_call(xt, codebook)
    cb_pad = jnp.pad(codebook, ((0, 0), (0, _NUM_EMB - _DIM)))
    q_rm = _sc_gather(cb_pad, idx)
    q = q_rm[:, :_DIM].reshape(_BATCH, _SEQ, _DIM)
    return (loss[0, 0], q, perp[0, 0], idx)

# --- scband reference (transcript-rebuilt; emitter-appended) ---
"""Pipeline reference for scband-vector-quantizer-25159918420456 (READ-ONLY COPY).

The authoritative reference and input builder live on the scoring server;
editing this copy changes nothing except your own understanding.
"""

import jax, jax.numpy as jnp
import numpy as np

NUM_EMBEDDINGS = 128
EMBEDDING_DIM = 64
COMMITMENT_COST = 0.25


def setup_inputs(seed: int = 0) -> dict:
    key = jax.random.key(seed)
    k1, k2 = jax.random.split(key)
    inputs = jax.random.normal(k1, (64, 1024, 64), dtype=jnp.float32)
    codebook = jax.random.uniform(k2, (NUM_EMBEDDINGS, EMBEDDING_DIM), minval=-1.0 / NUM_EMBEDDINGS, maxval=1.0 / NUM_EMBEDDINGS, dtype=jnp.float32)
    return {"inputs": inputs, "codebook": codebook}


def reference(inputs, codebook):
    flat_inputs = inputs.reshape(-1, EMBEDDING_DIM)
    distances = (jnp.sum(flat_inputs ** 2, axis=1, keepdims=True)
                 + jnp.sum(codebook ** 2, axis=1)
                 - 2.0 * jnp.matmul(flat_inputs, codebook.T))
    encoding_indices = jnp.argmin(distances, axis=1)
    quantized = jnp.take(codebook, encoding_indices, axis=0).reshape(inputs.shape)
    quantized_stopped = inputs + jax.lax.stop_gradient(quantized - inputs)
    e_latent_loss = jnp.mean((jax.lax.stop_gradient(quantized) - inputs) ** 2)
    q_latent_loss = jnp.mean((quantized - jax.lax.stop_gradient(inputs)) ** 2)
    loss = q_latent_loss + COMMITMENT_COST * e_latent_loss
    encodings = jax.nn.one_hot(encoding_indices, NUM_EMBEDDINGS, dtype=jnp.float32)
    avg_probs = jnp.mean(encodings, axis=0)
    perplexity = jnp.exp(-jnp.sum(avg_probs * jnp.log(avg_probs + 1e-10)))
    return (loss, quantized_stopped, perplexity, encoding_indices)

if __name__ == "__main__":
    import jax
    _d = setup_inputs()
    print(jax.jit(kernel)(*tuple(_d.values())))

</pallas_src>

<mosaic_0001>
#map = affine_map<(d0, d1) -> (0, 0)>
#map1 = affine_map<(d0, d1) -> (0)>
module attributes {stable_mosaic.version = 14 : i64} {
  func.func @k(%arg0: i32, %arg1: i32, %arg2: memref<128x128xf32, #tpu.memory_space<hbm>>, %arg3: memref<65536xi32, #tpu.memory_space<hbm>>, %arg4: memref<65536x128xf32, #tpu.memory_space<hbm>>, %arg5: memref<128xi32, #tpu.memory_space<vmem>>, %arg6: memref<128x128xf32, #tpu.memory_space<vmem>>, %arg7: memref<!tpu.dma_semaphore, #tpu.memory_space<semaphore_mem>>) attributes {dimension_semantics = [#tpu.dimension_semantics<core_parallel>, #tpu.dimension_semantics<subcore_parallel>], iteration_bounds = array<i64: 2, 16>, scalar_prefetch = 0 : i64, scratch_operands = 3 : i64, tpu.core_type = #tpu.core_type<sc_vector_subcore>, window_params = [{transform_indices = #map}, {transform_indices = #map1}, {transform_indices = #map}]} {
    %mul3A = arith.constant 2 : i32
    %mul3A_0 = arith.muli %arg1, %mul3A : i32
    %add3A = arith.addi %mul3A_0, %arg0 : i32
    %mul3A_1 = arith.constant 2048 : i32
    %mul3A_2 = arith.muli %add3A, %mul3A_1 : i32
    %scan3A = arith.constant 0 : i32
    %scan3A_3 = arith.constant 16 : i32
    %scan3A_4 = arith.addi %scan3A, %scan3A_3 : i32
    %scan3A_5 = arith.constant 1 : i32
    scf.for %scan3A_7 = %scan3A to %scan3A_4 step %scan3A_5  : i32 {
      %mul3A_8 = arith.constant 128 : i32
      %mul3A_9 = arith.muli %scan3A_7, %mul3A_8 : i32
      %add3A_10 = arith.addi %mul3A_2, %mul3A_9 : i32
      "tpu.region"() ({
        %run_scoped3A = tpu.sem_alloc : memref<!tpu.dma_semaphore, #tpu.memory_space<semaphore_mem>>
        %dma_start3A_15 = tpu.memref_slice %arg3[%add3A_10] : memref<65536xi32, #tpu.memory_space<hbm>> -> memref<128xi32, #tpu.memory_space<hbm>>
        %dma_start3A_16 = tpu.memref_slice %arg3[%add3A_10] : memref<65536xi32, #tpu.memory_space<hbm>> -> memref<128xi32, #tpu.memory_space<hbm>>
        tpu.enqueue_dma source(%dma_start3A_16 : memref<128xi32, #tpu.memory_space<hbm>>) target(%arg5 : memref<128xi32, #tpu.memory_space<vmem>>) target_semaphore(%run_scoped3A : memref<!tpu.dma_semaphore, #tpu.memory_space<semaphore_mem>>)
        %dma_wait3A_17 = tpu.memref_slice %arg3[%add3A_10] : memref<65536xi32, #tpu.memory_space<hbm>> -> memref<128xi32, #tpu.memory_space<hbm>>
        %dma_wait3A_18 = tpu.memref_slice %arg3[%add3A_10] : memref<65536xi32, #tpu.memory_space<hbm>> -> memref<128xi32, #tpu.memory_space<hbm>>
        tpu.wait_dma2 semaphore(%run_scoped3A : memref<!tpu.dma_semaphore, #tpu.memory_space<semaphore_mem>>) src(%dma_wait3A_18 : memref<128xi32, #tpu.memory_space<hbm>>) dst(%arg5 : memref<128xi32, #tpu.memory_space<vmem>>)
        tpu.yield
      }) : () -> ()
      %dma_start3A = arith.constant 0 : i32
      %dma_start3A_11 = arith.constant 0 : i32
      %dma_start3A_12 = tpu.memref_slice %arg2[%dma_start3A, %dma_start3A_11] : memref<128x128xf32, #tpu.memory_space<hbm>> -> memref<128x128xf32, #tpu.memory_space<hbm>>
      tpu.enqueue_indirect_dma source(%dma_start3A_12 : memref<128x128xf32, #tpu.memory_space<hbm>>) target(%arg6 : memref<128x128xf32, #tpu.memory_space<vmem>>) offsets(%arg5 : memref<128xi32, #tpu.memory_space<vmem>>) semaphore(%arg7 : memref<!tpu.dma_semaphore, #tpu.memory_space<semaphore_mem>>)
      %dma_wait3A = arith.constant 0 : i32
      %dma_wait3A_13 = arith.constant 0 : i32
      %dma_wait3A_14 = tpu.memref_slice %arg2[%dma_wait3A, %dma_wait3A_13] : memref<128x128xf32, #tpu.memory_space<hbm>> -> memref<128x128xf32, #tpu.memory_space<hbm>>
      tpu.wait_indirect_dma semaphore(%arg7 : memref<!tpu.dma_semaphore, #tpu.memory_space<semaphore_mem>>) src(%dma_wait3A_14 : memref<128x128xf32, #tpu.memory_space<hbm>>) dst(%arg6 : memref<128x128xf32, #tpu.memory_space<vmem>>)
      "tpu.region"() ({
        %run_scoped3A = tpu.sem_alloc : memref<!tpu.dma_semaphore, #tpu.memory_space<semaphore_mem>>
        %dma_start3A_15 = arith.constant 0 : i32
        %dma_start3A_16 = tpu.memref_slice %arg4[%add3A_10, %dma_start3A_15] : memref<65536x128xf32, #tpu.memory_space<hbm>> -> memref<128x128xf32, #tpu.memory_space<hbm>>
        %dma_start3A_17 = arith.constant 0 : i32
        %dma_start3A_18 = tpu.memref_slice %arg4[%add3A_10, %dma_start3A_17] : memref<65536x128xf32, #tpu.memory_space<hbm>> -> memref<128x128xf32, #tpu.memory_space<hbm>>
        tpu.enqueue_dma source(%arg6 : memref<128x128xf32, #tpu.memory_space<vmem>>) target(%dma_start3A_18 : memref<128x128xf32, #tpu.memory_space<hbm>>) target_semaphore(%run_scoped3A : memref<!tpu.dma_semaphore, #tpu.memory_space<semaphore_mem>>)
        %dma_wait3A_19 = arith.constant 0 : i32
        %dma_wait3A_20 = tpu.memref_slice %arg4[%add3A_10, %dma_wait3A_19] : memref<65536x128xf32, #tpu.memory_space<hbm>> -> memref<128x128xf32, #tpu.memory_space<hbm>>
        %dma_wait3A_21 = arith.constant 0 : i32
        %dma_wait3A_22 = tpu.memref_slice %arg4[%add3A_10, %dma_wait3A_21] : memref<65536x128xf32, #tpu.memory_space<hbm>> -> memref<128x128xf32, #tpu.memory_space<hbm>>
        tpu.wait_dma2 semaphore(%run_scoped3A : memref<!tpu.dma_semaphore, #tpu.memory_space<semaphore_mem>>) src(%arg6 : memref<128x128xf32, #tpu.memory_space<vmem>>) dst(%dma_wait3A_22 : memref<128x128xf32, #tpu.memory_space<hbm>>)
        tpu.yield
      }) : () -> ()
    }
    %scan3A_6 = arith.constant 16 : i32
    return
  }
}

module attributes {stable_mosaic.version = 14 : i64} {
  func.func @_vq_body(%arg0: i32, %arg1: memref<8x64x1024xf32, #tpu.memory_space<vmem>>, %arg2: memref<128x64xf32, #tpu.memory_space<vmem>>, %arg3: memref<8192xi32, #tpu.memory_space<vmem>>, %arg4: memref<1x1xf32, #tpu.memory_space<vmem>>, %arg5: memref<1x1xf32, #tpu.memory_space<vmem>>, %arg6: memref<128x1xf32, #tpu.memory_space<vmem>>, %arg7: memref<1x1xf32, #tpu.memory_space<vmem>>) attributes {dimension_semantics = [#tpu.dimension_semantics<arbitrary>], iteration_bounds = array<i64: 8>, scalar_prefetch = 0 : i64, scratch_operands = 2 : i64, tpu.core_type = #tpu.core_type<tc>, window_params = [{transform_indices = @transform_0, window_bounds = array<i64: 8, 64, 1024>}, {pipeline_mode = #tpu.pipeline_mode<synchronous>, transform_indices = @transform_1, window_bounds = array<i64: 128, 64>}, {transform_indices = @transform_2, window_bounds = array<i64: 8192>}, {pipeline_mode = #tpu.pipeline_mode<synchronous>, transform_indices = @transform_3, window_bounds = array<i64: 1, 1>}, {pipeline_mode = #tpu.pipeline_mode<synchronous>, transform_indices = @transform_4, window_bounds = array<i64: 1, 1>}]} {
    %get3A = arith.constant 0 : index
    %get3A_0 = arith.constant 0 : index
    %get3A_1 = vector.load %arg2[%get3A, %get3A_0] : memref<128x64xf32, #tpu.memory_space<vmem>>, vector<128x64xf32>
    %mul3A = arith.mulf %get3A_1, %get3A_1 : vector<128x64xf32>
    %reduce_sum3A = arith.constant dense<0.000000e+00> : vector<128xf32>
    %reduce_sum3A_2 = vector.multi_reduction <add>, %mul3A, %reduce_sum3A [1] : vector<128x64xf32> to vector<128xf32>
    %broadcast_in_dim3A = vector.shape_cast %reduce_sum3A_2 : vector<128xf32> to vector<128x1xf32>
    %iota3A = tpu.iota {dimensions = array<i32: 0>} : vector<128x1xi32>
    %convert_element_type3A = arith.sitofp %iota3A : vector<128x1xi32> to vector<128x1xf32>
    %sub3A = arith.constant 1.280000e+02 : f32
    %sub3A_3 = vector.broadcast %sub3A : f32 to vector<128x1xf32>
    %sub3A_4 = arith.subf %sub3A_3, %convert_element_type3A : vector<128x1xf32>
    %broadcast_in_dim3A_5 = arith.constant 1.000000e+00 : f32
    %broadcast_in_dim3A_6 = vector.broadcast %broadcast_in_dim3A_5 : f32 to vector<1024x1xf32>
    %eq3A = arith.constant 0 : i32
    %eq3A_7 = arith.cmpi eq, %arg0, %eq3A : i32
    %convert_element_type3A_8 = arith.extui %eq3A_7 : i1 to i32
    %cond3A = arith.constant 0 : i32
    %cond3A_9 = arith.cmpi ne, %convert_element_type3A_8, %cond3A : i32
    scf.if %cond3A_9 {
      %broadcast_in_dim3A_427 = arith.constant 0.000000e+00 : f32
      %broadcast_in_dim3A_428 = vector.broadcast %broadcast_in_dim3A_427 : f32 to vector<128x1xf32>
      %swap3A_429 = arith.constant 0 : index
      %swap3A_430 = arith.constant 0 : index
      %swap3A_431 = vector.load %arg6[%swap3A_429, %swap3A_430] : memref<128x1xf32, #tpu.memory_space<vmem>>, vector<128x1xf32>
      tpu.vector_store %arg6[%swap3A_429, %swap3A_430], %broadcast_in_dim3A_428 {strides = array<i32>} : memref<128x1xf32, #tpu.memory_space<vmem>>, vector<128x1xf32>,
      %broadcast_in_dim3A_432 = arith.constant 0.000000e+00 : f32
      %broadcast_in_dim3A_433 = vector.broadcast %broadcast_in_dim3A_432 : f32 to vector<1x1xf32>
      %swap3A_434 = arith.constant 0 : index
      %swap3A_435 = arith.constant 0 : index
      %swap3A_436 = vector.load %arg7[%swap3A_434, %swap3A_435] : memref<1x1xf32, #tpu.memory_space<vmem>>, vector<1x1xf32>
      tpu.vector_store %arg7[%swap3A_434, %swap3A_435], %broadcast_in_dim3A_433 {strides = array<i32>} : memref<1x1xf32, #tpu.memory_space<vmem>>, vector<1x1xf32>,
    } else {
    }
    %get3A_10 = arith.constant 0 : index
    %get3A_11 = arith.constant 0 : index
    %get3A_12 = vector.load %arg6[%get3A_10, %get3A_11] : memref<128x1xf32, #tpu.memory_space<vmem>>, vector<128x1xf32>
    %get3A_13 = arith.constant 0 : index
    %get3A_14 = arith.constant 0 : index
    %get3A_15 = vector.load %arg7[%get3A_13, %get3A_14] : memref<1x1xf32, #tpu.memory_space<vmem>>, vector<1x1xf32>
    %get3A_16 = arith.constant 0 : index
    %get3A_17 = arith.constant 0 : index
    %get3A_18 = arith.constant 0 : index
    %get3A_19 = vector.load %arg1[%get3A_16, %get3A_17, %get3A_18] : memref<8x64x1024xf32, #tpu.memory_space<vmem>>, vector<1x64x1024xf32>
    %get3A_20 = vector.shape_cast %get3A_19 : vector<1x64x1024xf32> to vector<64x1024xf32>
    %mul3A_21 = arith.mulf %get3A_20, %get3A_20 : vector<64x1024xf32>
    %reduce_sum3A_22 = arith.constant dense<0.000000e+00> : vector<1024xf32>
    %reduce_sum3A_23 = vector.multi_reduction <add>, %mul3A_21, %reduce_sum3A_22 [0] : vector<64x1024xf32> to vector<1024xf32>
    %broadcast_in_dim3A_24 = vector.shape_cast %reduce_sum3A_23 : vector<1024xf32> to vector<1x1024xf32>
    %dot_general3A = arith.constant dense<0.000000e+00> : vector<128x1024xf32>
    %dot_general3A_25 = tpu.matmul %get3A_1, %get3A_20, %dot_general3A {dimension_numbers = #tpu.dot_dimension_numbers<[1], [0], [0], [1], [0, 0, 1, 1], [], []>, transpose_lhs_hint = false} : vector<128x64xf32>, vector<64x1024xf32>, vector<128x1024xf32> -> vector<128x1024xf32>
    %add3A = vector.broadcast %broadcast_in_dim3A_24 : vector<1x1024xf32> to vector<128x1024xf32>
    %add3A_26 = vector.broadcast %broadcast_in_dim3A : vector<128x1xf32> to vector<128x1024xf32>
    %add3A_27 = arith.addf %add3A, %add3A_26 : vector<128x1024xf32>
    %mul3A_28 = arith.constant 2.000000e+00 : f32
    %mul3A_29 = vector.broadcast %mul3A_28 : f32 to vector<128x1024xf32>
    %mul3A_30 = arith.mulf %mul3A_29, %dot_general3A_25 : vector<128x1024xf32>
    %sub3A_31 = arith.subf %add3A_27, %mul3A_30 : vector<128x1024xf32>
    %reduce_min3A = arith.constant dense<0x7F800000> : vector<1024xf32>
    %reduce_min3A_32 = vector.multi_reduction <minimumf>, %sub3A_31, %reduce_min3A [0] : vector<128x1024xf32> to vector<1024xf32>
    %broadcast_in_dim3A_33 = vector.shape_cast %reduce_min3A_32 : vector<1024xf32> to vector<1x1024xf32>
    %eq3A_34 = vector.broadcast %broadcast_in_dim3A_33 : vector<1x1024xf32> to vector<128x1024xf32>
    %eq3A_35 = arith.cmpf oeq, %sub3A_31, %eq3A_34 : vector<128x1024xf32>
    %jit3A = arith.constant 0.000000e+00 : f32
    %broadcast_in_dim3A_36 = vector.shape_cast %sub3A_4 : vector<128x1xf32> to vector<128x1xf32>
    %broadcast_in_dim3A_37 = vector.broadcast %broadcast_in_dim3A_36 : vector<128x1xf32> to vector<128x1024xf32>
    %broadcast_in_dim3A_38 = vector.broadcast %jit3A : f32 to vector<128x1024xf32>
    %select_n3A = arith.select %eq3A_35, %broadcast_in_dim3A_37, %broadcast_in_dim3A_38 : vector<128x1024xi1>, vector<128x1024xf32>
    %reduce_max3A = arith.constant dense<0xFF800000> : vector<1024xf32>
    %reduce_max3A_39 = vector.multi_reduction <maximumf>, %select_n3A, %reduce_max3A [0] : vector<128x1024xf32> to vector<1024xf32>
    %broadcast_in_dim3A_40 = vector.shape_cast %reduce_max3A_39 : vector<1024xf32> to vector<1x1024xf32>
    %eq3A_41 = vector.broadcast %broadcast_in_dim3A_40 : vector<1x1024xf32> to vector<128x1024xf32>
    %eq3A_42 = arith.cmpf oeq, %select_n3A, %eq3A_41 : vector<128x1024xf32>
    %jit3A_43 = arith.constant 1.000000e+00 : f32
    %jit3A_44 = arith.constant 0.000000e+00 : f32
    %broadcast_in_dim3A_45 = vector.broadcast %jit3A_43 : f32 to vector<128x1024xf32>
    %broadcast_in_dim3A_46 = vector.broadcast %jit3A_44 : f32 to vector<128x1024xf32>
    %select_n3A_47 = arith.select %eq3A_42, %broadcast_in_dim3A_45, %broadcast_in_dim3A_46 : vector<128x1024xi1>, vector<128x1024xf32>
    %sub3A_48 = arith.constant 1.280000e+02 : f32
    %sub3A_49 = vector.broadcast %sub3A_48 : f32 to vector<1x1024xf32>
    %sub3A_50 = arith.subf %sub3A_49, %broadcast_in_dim3A_40 : vector<1x1024xf32>
    %convert_element_type3A_51 = arith.fptosi %sub3A_50 : vector<1x1024xf32> to vector<1x1024xi32>
    %reshape3A = vector.shape_cast %convert_element_type3A_51 : vector<1x1024xi32> to vector<1024xi32>
    %swap3A = arith.constant 0 : index
    %swap3A_52 = vector.load %arg3[%swap3A] : memref<8192xi32, #tpu.memory_space<vmem>>, vector<1024xi32>
    tpu.vector_store %arg3[%swap3A], %reshape3A {strides = array<i32>} : memref<8192xi32, #tpu.memory_space<vmem>>, vector<1024xi32>,
    %dot_general3A_53 = arith.constant dense<0.000000e+00> : vector<128x1xf32>
    %dot_general3A_54 = tpu.matmul %select_n3A_47, %broadcast_in_dim3A_6, %dot_general3A_53 {dimension_numbers = #tpu.dot_dimension_numbers<[1], [0], [0], [1], [0, 0, 1, 1], [], []>, transpose_lhs_hint = false} : vector<128x1024xf32>, vector<1024x1xf32>, vector<128x1xf32> -> vector<128x1xf32>
    %add3A_55 = arith.addf %get3A_12, %dot_general3A_54 : vector<128x1xf32>
    %dot_general3A_56 = arith.constant dense<0.000000e+00> : vector<1x1xf32>
    %dot_general3A_57 = tpu.matmul %broadcast_in_dim3A_33, %broadcast_in_dim3A_6, %dot_general3A_56 {dimension_numbers = #tpu.dot_dimension_numbers<[1], [0], [0], [1], [0, 0, 1, 1], [], []>, transpose_lhs_hint = false} : vector<1x1024xf32>, vector<1024x1xf32>, vector<1x1xf32> -> vector<1x1xf32>
    %add3A_58 = arith.addf %get3A_15, %dot_general3A_57 : vector<1x1xf32>
    %get3A_59 = arith.constant 1 : index
    %get3A_60 = arith.constant 0 : index
    %get3A_61 = arith.constant 0 : index
    %get3A_62 = vector.load %arg1[%get3A_59, %get3A_60, %get3A_61] : memref<8x64x1024xf32, #tpu.memory_space<vmem>>, vector<1x64x1024xf32>
    %get3A_63 = vector.shape_cast %get3A_62 : vector<1x64x1024xf32> to vector<64x1024xf32>
    %mul3A_64 = arith.mulf %get3A_63, %get3A_63 : vector<64x1024xf32>
    %reduce_sum3A_65 = arith.constant dense<0.000000e+00> : vector<1024xf32>
    %reduce_sum3A_66 = vector.multi_reduction <add>, %mul3A_64, %reduce_sum3A_65 [0] : vector<64x1024xf32> to vector<1024xf32>
    %broadcast_in_dim3A_67 = vector.shape_cast %reduce_sum3A_66 : vector<1024xf32> to vector<1x1024xf32>
    %dot_general3A_68 = arith.constant dense<0.000000e+00> : vector<128x1024xf32>
    %dot_general3A_69 = tpu.matmul %get3A_1, %get3A_63, %dot_general3A_68 {dimension_numbers = #tpu.dot_dimension_numbers<[1], [0], [0], [1], [0, 0, 1, 1], [], []>, transpose_lhs_hint = false} : vector<128x64xf32>, vector<64x1024xf32>, vector<128x1024xf32> -> vector<128x1024xf32>
    %add3A_70 = vector.broadcast %broadcast_in_dim3A_67 : vector<1x1024xf32> to vector<128x1024xf32>
    %add3A_71 = vector.broadcast %broadcast_in_dim3A : vector<128x1xf32> to vector<128x1024xf32>
    %add3A_72 = arith.addf %add3A_70, %add3A_71 : vector<128x1024xf32>
    %mul3A_73 = arith.constant 2.000000e+00 : f32
    %mul3A_74 = vector.broadcast %mul3A_73 : f32 to vector<128x1024xf32>
    %mul3A_75 = arith.mulf %mul3A_74, %dot_general3A_69 : vector<128x1024xf32>
    %sub3A_76 = arith.subf %add3A_72, %mul3A_75 : vector<128x1024xf32>
    %reduce_min3A_77 = arith.constant dense<0x7F800000> : vector<1024xf32>
    %reduce_min3A_78 = vector.multi_reduction <minimumf>, %sub3A_76, %reduce_min3A_77 [0] : vector<128x1024xf32> to vector<1024xf32>
    %broadcast_in_dim3A_79 = vector.shape_cast %reduce_min3A_78 : vector<1024xf32> to vector<1x1024xf32>
    %eq3A_80 = vector.broadcast %broadcast_in_dim3A_79 : vector<1x1024xf32> to vector<128x1024xf32>
    %eq3A_81 = arith.cmpf oeq, %sub3A_76, %eq3A_80 : vector<128x1024xf32>
    %jit3A_82 = arith.constant 0.000000e+00 : f32
    %broadcast_in_dim3A_83 = vector.shape_cast %sub3A_4 : vector<128x1xf32> to vector<128x1xf32>
    %broadcast_in_dim3A_84 = vector.broadcast %broadcast_in_dim3A_83 : vector<128x1xf32> to vector<128x1024xf32>
    %broadcast_in_dim3A_85 = vector.broadcast %jit3A_82 : f32 to vector<128x1024xf32>
    %select_n3A_86 = arith.select %eq3A_81, %broadcast_in_dim3A_84, %broadcast_in_dim3A_85 : vector<128x1024xi1>, vector<128x1024xf32>
    %reduce_max3A_87 = arith.constant dense<0xFF800000> : vector<1024xf32>
    %reduce_max3A_88 = vector.multi_reduction <maximumf>, %select_n3A_86, %reduce_max3A_87 [0] : vector<128x1024xf32> to vector<1024xf32>
    %broadcast_in_dim3A_89 = vector.shape_cast %reduce_max3A_88 : vector<1024xf32> to vector<1x1024xf32>
    %eq3A_90 = vector.broadcast %broadcast_in_dim3A_89 : vector<1x1024xf32> to vector<128x1024xf32>
    %eq3A_91 = arith.cmpf oeq, %select_n3A_86, %eq3A_90 : vector<128x1024xf32>
    %jit3A_92 = arith.constant 1.000000e+00 : f32
    %jit3A_93 = arith.constant 0.000000e+00 : f32
    %broadcast_in_dim3A_94 = vector.broadcast %jit3A_92 : f32 to vector<128x1024xf32>
    %broadcast_in_dim3A_95 = vector.broadcast %jit3A_93 : f32 to vector<128x1024xf32>
    %select_n3A_96 = arith.select %eq3A_91, %broadcast_in_dim3A_94, %broadcast_in_dim3A_95 : vector<128x1024xi1>, vector<128x1024xf32>
    %sub3A_97 = arith.constant 1.280000e+02 : f32
    %sub3A_98 = vector.broadcast %sub3A_97 : f32 to vector<1x1024xf32>
    %sub3A_99 = arith.subf %sub3A_98, %broadcast_in_dim3A_89 : vector<1x1024xf32>
    %convert_element_type3A_100 = arith.fptosi %sub3A_99 : vector<1x1024xf32> to vector<1x1024xi32>
    %reshape3A_101 = vector.shape_cast %convert_element_type3A_100 : vector<1x1024xi32> to vector<1024xi32>
    %swap3A_102 = arith.constant 1024 : index
    %swap3A_103 = vector.load %arg3[%swap3A_102] : memref<8192xi32, #tpu.memory_space<vmem>>, vector<1024xi32>
    tpu.vector_store %arg3[%swap3A_102], %reshape3A_101 {strides = array<i32>} : memref<8192xi32, #tpu.memory_space<vmem>>, vector<1024xi32>,
    %dot_general3A_104 = arith.constant dense<0.000000e+00> : vector<128x1xf32>
    %dot_general3A_105 = tpu.matmul %select_n3A_96, %broadcast_in_dim3A_6, %dot_general3A_104 {dimension_numbers = #tpu.dot_dimension_numbers<[1], [0], [0], [1], [0, 0, 1, 1], [], []>, transpose_lhs_hint = false} : vector<128x1024xf32>, vector<1024x1xf32>, vector<128x1xf32> -> vector<128x1xf32>
    %add3A_106 = arith.addf %add3A_55, %dot_general3A_105 : vector<128x1xf32>
    %dot_general3A_107 = arith.constant dense<0.000000e+00> : vector<1x1xf32>
    %dot_general3A_108 = tpu.matmul %broadcast_in_dim3A_79, %broadcast_in_dim3A_6, %dot_general3A_107 {dimension_numbers = #tpu.dot_dimension_numbers<[1], [0], [0], [1], [0, 0, 1, 1], [], []>, transpose_lhs_hint = false} : vector<1x1024xf32>, vector<1024x1xf32>, vector<1x1xf32> -> vector<1x1xf32>
    %add3A_109 = arith.addf %add3A_58, %dot_general3A_108 : vector<1x1xf32>
    %get3A_110 = arith.constant 2 : index
    %get3A_111 = arith.constant 0 : index
    %get3A_112 = arith.constant 0 : index
    %get3A_113 = vector.load %arg1[%get3A_110, %get3A_111, %get3A_112] : memref<8x64x1024xf32, #tpu.memory_space<vmem>>, vector<1x64x1024xf32>
    %get3A_114 = vector.shape_cast %get3A_113 : vector<1x64x1024xf32> to vector<64x1024xf32>
    %mul3A_115 = arith.mulf %get3A_114, %get3A_114 : vector<64x1024xf32>
    %reduce_sum3A_116 = arith.constant dense<0.000000e+00> : vector<1024xf32>
    %reduce_sum3A_117 = vector.multi_reduction <add>, %mul3A_115, %reduce_sum3A_116 [0] : vector<64x1024xf32> to vector<1024xf32>
    %broadcast_in_dim3A_118 = vector.shape_cast %reduce_sum3A_117 : vector<1024xf32> to vector<1x1024xf32>
    %dot_general3A_119 = arith.constant dense<0.000000e+00> : vector<128x1024xf32>
    %dot_general3A_120 = tpu.matmul %get3A_1, %get3A_114, %dot_general3A_119 {dimension_numbers = #tpu.dot_dimension_numbers<[1], [0], [0], [1], [0, 0, 1, 1], [], []>, transpose_lhs_hint = false} : vector<128x64xf32>, vector<64x1024xf32>, vector<128x1024xf32> -> vector<128x1024xf32>
    %add3A_121 = vector.broadcast %broadcast_in_dim3A_118 : vector<1x1024xf32> to vector<128x1024xf32>
    %add3A_122 = vector.broadcast %broadcast_in_dim3A : vector<128x1xf32> to vector<128x1024xf32>
    %add3A_123 = arith.addf %add3A_121, %add3A_122 : vector<128x1024xf32>
    %mul3A_124 = arith.constant 2.000000e+00 : f32
    %mul3A_125 = vector.broadcast %mul3A_124 : f32 to vector<128x1024xf32>
    %mul3A_126 = arith.mulf %mul3A_125, %dot_general3A_120 : vector<128x1024xf32>
    %sub3A_127 = arith.subf %add3A_123, %mul3A_126 : vector<128x1024xf32>
    %reduce_min3A_128 = arith.constant dense<0x7F800000> : vector<1024xf32>
    %reduce_min3A_129 = vector.multi_reduction <minimumf>, %sub3A_127, %reduce_min3A_128 [0] : vector<128x1024xf32> to vector<1024xf32>
    %broadcast_in_dim3A_130 = vector.shape_cast %reduce_min3A_129 : vector<1024xf32> to vector<1x1024xf32>
    %eq3A_131 = vector.broadcast %broadcast_in_dim3A_130 : vector<1x1024xf32> to vector<128x1024xf32>
    %eq3A_132 = arith.cmpf oeq, %sub3A_127, %eq3A_131 : vector<128x1024xf32>
    %jit3A_133 = arith.constant 0.000000e+00 : f32
    %broadcast_in_dim3A_134 = vector.shape_cast %sub3A_4 : vector<128x1xf32> to vector<128x1xf32>
    %broadcast_in_dim3A_135 = vector.broadcast %broadcast_in_dim3A_134 : vector<128x1xf32> to vector<128x1024xf32>
    %broadcast_in_dim3A_136 = vector.broadcast %jit3A_133 : f32 to vector<128x1024xf32>
    %select_n3A_137 = arith.select %eq3A_132, %broadcast_in_dim3A_135, %broadcast_in_dim3A_136 : vector<128x1024xi1>, vector<128x1024xf32>
    %reduce_max3A_138 = arith.constant dense<0xFF800000> : vector<1024xf32>
    %reduce_max3A_139 = vector.multi_reduction <maximumf>, %select_n3A_137, %reduce_max3A_138 [0] : vector<128x1024xf32> to vector<1024xf32>
    %broadcast_in_dim3A_140 = vector.shape_cast %reduce_max3A_139 : vector<1024xf32> to vector<1x1024xf32>
    %eq3A_141 = vector.broadcast %broadcast_in_dim3A_140 : vector<1x1024xf32> to vector<128x1024xf32>
    %eq3A_142 = arith.cmpf oeq, %select_n3A_137, %eq3A_141 : vector<128x1024xf32>
    %jit3A_143 = arith.constant 1.000000e+00 : f32
    %jit3A_144 = arith.constant 0.000000e+00 : f32
    %broadcast_in_dim3A_145 = vector.broadcast %jit3A_143 : f32 to vector<128x1024xf32>
    %broadcast_in_dim3A_146 = vector.broadcast %jit3A_144 : f32 to vector<128x1024xf32>
    %select_n3A_147 = arith.select %eq3A_142, %broadcast_in_dim3A_145, %broadcast_in_dim3A_146 : vector<128x1024xi1>, vector<128x1024xf32>
    %sub3A_148 = arith.constant 1.280000e+02 : f32
    %sub3A_149 = vector.broadcast %sub3A_148 : f32 to vector<1x1024xf32>
    %sub3A_150 = arith.subf %sub3A_149, %broadcast_in_dim3A_140 : vector<1x1024xf32>
    %convert_element_type3A_151 = arith.fptosi %sub3A_150 : vector<1x1024xf32> to vector<1x1024xi32>
    %reshape3A_152 = vector.shape_cast %convert_element_type3A_151 : vector<1x1024xi32> to vector<1024xi32>
    %swap3A_153 = arith.constant 2048 : index
    %swap3A_154 = vector.load %arg3[%swap3A_153] : memref<8192xi32, #tpu.memory_space<vmem>>, vector<1024xi32>
    tpu.vector_store %arg3[%swap3A_153], %reshape3A_152 {strides = array<i32>} : memref<8192xi32, #tpu.memory_space<vmem>>, vector<1024xi32>,
    %dot_general3A_155 = arith.constant dense<0.000000e+00> : vector<128x1xf32>
    %dot_general3A_156 = tpu.matmul %select_n3A_147, %broadcast_in_dim3A_6, %dot_general3A_155 {dimension_numbers = #tpu.dot_dimension_numbers<[1], [0], [0], [1], [0, 0, 1, 1], [], []>, transpose_lhs_hint = false} : vector<128x1024xf32>, vector<1024x1xf32>, vector<128x1xf32> -> vector<128x1xf32>
    %add3A_157 = arith.addf %add3A_106, %dot_general3A_156 : vector<128x1xf32>
    %dot_general3A_158 = arith.constant dense<0.000000e+00> : vector<1x1xf32>
    %dot_general3A_159 = tpu.matmul %broadcast_in_dim3A_130, %broadcast_in_dim3A_6, %dot_general3A_158 {dimension_numbers = #tpu.dot_dimension_numbers<[1], [0], [0], [1], [0, 0, 1, 1], [], []>, transpose_lhs_hint = false} : vector<1x1024xf32>, vector<1024x1xf32>, vector<1x1xf32> -> vector<1x1xf32>
    %add3A_160 = arith.addf %add3A_109, %dot_general3A_159 : vector<1x1xf32>
    %get3A_161 = arith.constant 3 : index
    %get3A_162 = arith.constant 0 : index
    %get3A_163 = arith.constant 0 : index
    %get3A_164 = vector.load %arg1[%get3A_161, %get3A_162, %get3A_163] : memref<8x64x1024xf32, #tpu.memory_space<vmem>>, vector<1x64x1024xf32>
    %get3A_165 = vector.shape_cast %get3A_164 : vector<1x64x1024xf32> to vector<64x1024xf32>
    %mul3A_166 = arith.mulf %get3A_165, %get3A_165 : vector<64x1024xf32>
    %reduce_sum3A_167 = arith.constant dense<0.000000e+00> : vector<1024xf32>
    %reduce_sum3A_168 = vector.multi_reduction <add>, %mul3A_166, %reduce_sum3A_167 [0] : vector<64x1024xf32> to vector<1024xf32>
    %broadcast_in_dim3A_169 = vector.shape_cast %reduce_sum3A_168 : vector<1024xf32> to vector<1x1024xf32>
    %dot_general3A_170 = arith.constant dense<0.000000e+00> : vector<128x1024xf32>
    %dot_general3A_171 = tpu.matmul %get3A_1, %get3A_165, %dot_general3A_170 {dimension_numbers = #tpu.dot_dimension_numbers<[1], [0], [0], [1], [0, 0, 1, 1], [], []>, transpose_lhs_hint = false} : vector<128x64xf32>, vector<64x1024xf32>, vector<128x1024xf32> -> vector<128x1024xf32>
    %add3A_172 = vector.broadcast %broadcast_in_dim3A_169 : vector<1x1024xf32> to vector<128x1024xf32>
    %add3A_173 = vector.broadcast %broadcast_in_dim3A : vector<128x1xf32> to vector<128x1024xf32>
    %add3A_174 = arith.addf %add3A_172, %add3A_173 : vector<128x1024xf32>
    %mul3A_175 = arith.constant 2.000000e+00 : f32
    %mul3A_176 = vector.broadcast %mul3A_175 : f32 to vector<128x1024xf32>
    %mul3A_177 = arith.mulf %mul3A_176, %dot_general3A_171 : vector<128x1024xf32>
    %sub3A_178 = arith.subf %add3A_174, %mul3A_177 : vector<128x1024xf32>
    %reduce_min3A_179 = arith.constant dense<0x7F800000> : vector<1024xf32>
    %reduce_min3A_180 = vector.multi_reduction <minimumf>, %sub3A_178, %reduce_min3A_179 [0] : vector<128x1024xf32> to vector<1024xf32>
    %broadcast_in_dim3A_181 = vector.shape_cast %reduce_min3A_180 : vector<1024xf32> to vector<1x1024xf32>
    %eq3A_182 = vector.broadcast %broadcast_in_dim3A_181 : vector<1x1024xf32> to vector<128x1024xf32>
    %eq3A_183 = arith.cmpf oeq, %sub3A_178, %eq3A_182 : vector<128x1024xf32>
    %jit3A_184 = arith.constant 0.000000e+00 : f32
    %broadcast_in_dim3A_185 = vector.shape_cast %sub3A_4 : vector<128x1xf32> to vector<128x1xf32>
    %broadcast_in_dim3A_186 = vector.broadcast %broadcast_in_dim3A_185 : vector<128x1xf32> to vector<128x1024xf32>
    %broadcast_in_dim3A_187 = vector.broadcast %jit3A_184 : f32 to vector<128x1024xf32>
    %select_n3A_188 = arith.select %eq3A_183, %broadcast_in_dim3A_186, %broadcast_in_dim3A_187 : vector<128x1024xi1>, vector<128x1024xf32>
    %reduce_max3A_189 = arith.constant dense<0xFF800000> : vector<1024xf32>
    %reduce_max3A_190 = vector.multi_reduction <maximumf>, %select_n3A_188, %reduce_max3A_189 [0] : vector<128x1024xf32> to vector<1024xf32>
    %broadcast_in_dim3A_191 = vector.shape_cast %reduce_max3A_190 : vector<1024xf32> to vector<1x1024xf32>
    %eq3A_192 = vector.broadcast %broadcast_in_dim3A_191 : vector<1x1024xf32> to vector<128x1024xf32>
    %eq3A_193 = arith.cmpf oeq, %select_n3A_188, %eq3A_192 : vector<128x1024xf32>
    %jit3A_194 = arith.constant 1.000000e+00 : f32
    %jit3A_195 = arith.constant 0.000000e+00 : f32
    %broadcast_in_dim3A_196 = vector.broadcast %jit3A_194 : f32 to vector<128x1024xf32>
    %broadcast_in_dim3A_197 = vector.broadcast %jit3A_195 : f32 to vector<128x1024xf32>
    %select_n3A_198 = arith.select %eq3A_193, %broadcast_in_dim3A_196, %broadcast_in_dim3A_197 : vector<128x1024xi1>, vector<128x1024xf32>
    %sub3A_199 = arith.constant 1.280000e+02 : f32
    %sub3A_200 = vector.broadcast %sub3A_199 : f32 to vector<1x1024xf32>
    %sub3A_201 = arith.subf %sub3A_200, %broadcast_in_dim3A_191 : vector<1x1024xf32>
    %convert_element_type3A_202 = arith.fptosi %sub3A_201 : vector<1x1024xf32> to vector<1x1024xi32>
    %reshape3A_203 = vector.shape_cast %convert_element_type3A_202 : vector<1x1024xi32> to vector<1024xi32>
    %swap3A_204 = arith.constant 3072 : index
    %swap3A_205 = vector.load %arg3[%swap3A_204] : memref<8192xi32, #tpu.memory_space<vmem>>, vector<1024xi32>
    tpu.vector_store %arg3[%swap3A_204], %reshape3A_203 {strides = array<i32>} : memref<8192xi32, #tpu.memory_space<vmem>>, vector<1024xi32>,
    %dot_general3A_206 = arith.constant dense<0.000000e+00> : vector<128x1xf32>
    %dot_general3A_207 = tpu.matmul %select_n3A_198, %broadcast_in_dim3A_6, %dot_general3A_206 {dimension_numbers = #tpu.dot_dimension_numbers<[1], [0], [0], [1], [0, 0, 1, 1], [], []>, transpose_lhs_hint = false} : vector<128x1024xf32>, vector<1024x1xf32>, vector<128x1xf32> -> vector<128x1xf32>
    %add3A_208 = arith.addf %add3A_157, %dot_general3A_207 : vector<128x1xf32>
    %dot_general3A_209 = arith.constant dense<0.000000e+00> : vector<1x1xf32>
    %dot_general3A_210 = tpu.matmul %broadcast_in_dim3A_181, %broadcast_in_dim3A_6, %dot_general3A_209 {dimension_numbers = #tpu.dot_dimension_numbers<[1], [0], [0], [1], [0, 0, 1, 1], [], []>, transpose_lhs_hint = false} : vector<1x1024xf32>, vector<1024x1xf32>, vector<1x1xf32> -> vector<1x1xf32>
    %add3A_211 = arith.addf %add3A_160, %dot_general3A_210 : vector<1x1xf32>
    %get3A_212 = arith.constant 4 : index
    %get3A_213 = arith.constant 0 : index
    %get3A_214 = arith.constant 0 : index
    %get3A_215 = vector.load %arg1[%get3A_212, %get3A_213, %get3A_214] : memref<8x64x1024xf32, #tpu.memory_space<vmem>>, vector<1x64x1024xf32>
    %get3A_216 = vector.shape_cast %get3A_215 : vector<1x64x1024xf32> to vector<64x1024xf32>
    %mul3A_217 = arith.mulf %get3A_216, %get3A_216 : vector<64x1024xf32>
    %reduce_sum3A_218 = arith.constant dense<0.000000e+00> : vector<1024xf32>
    %reduce_sum3A_219 = vector.multi_reduction <add>, %mul3A_217, %reduce_sum3A_218 [0] : vector<64x1024xf32> to vector<1024xf32>
    %broadcast_in_dim3A_220 = vector.shape_cast %reduce_sum3A_219 : vector<1024xf32> to vector<1x1024xf32>
    %dot_general3A_221 = arith.constant dense<0.000000e+00> : vector<128x1024xf32>
    %dot_general3A_222 = tpu.matmul %get3A_1, %get3A_216, %dot_general3A_221 {dimension_numbers = #tpu.dot_dimension_numbers<[1], [0], [0], [1], [0, 0, 1, 1], [], []>, transpose_lhs_hint = false} : vector<128x64xf32>, vector<64x1024xf32>, vector<128x1024xf32> -> vector<128x1024xf32>
    %add3A_223 = vector.broadcast %broadcast_in_dim3A_220 : vector<1x1024xf32> to vector<128x1024xf32>
    %add3A_224 = vector.broadcast %broadcast_in_dim3A : vector<128x1xf32> to vector<128x1024xf32>
    %add3A_225 = arith.addf %add3A_223, %add3A_224 : vector<128x1024xf32>
    %mul3A_226 = arith.constant 2.000000e+00 : f32
    %mul3A_227 = vector.broadcast %mul3A_226 : f32 to vector<128x1024xf32>
    %mul3A_228 = arith.mulf %mul3A_227, %dot_general3A_222 : vector<128x1024xf32>
    %sub3A_229 = arith.subf %add3A_225, %mul3A_228 : vector<128x1024xf32>
    %reduce_min3A_230 = arith.constant dense<0x7F800000> : vector<1024xf32>
    %reduce_min3A_231 = vector.multi_reduction <minimumf>, %sub3A_229, %reduce_min3A_230 [0] : vector<128x1024xf32> to vector<1024xf32>
    %broadcast_in_dim3A_232 = vector.shape_cast %reduce_min3A_231 : vector<1024xf32> to vector<1x1024xf32>
    %eq3A_233 = vector.broadcast %broadcast_in_dim3A_232 : vector<1x1024xf32> to vector<128x1024xf32>
    %eq3A_234 = arith.cmpf oeq, %sub3A_229, %eq3A_233 : vector<128x1024xf32>
    %jit3A_235 = arith.constant 0.000000e+00 : f32
    %broadcast_in_dim3A_236 = vector.shape_cast %sub3A_4 : vector<128x1xf32> to vector<128x1xf32>
    %broadcast_in_dim3A_237 = vector.broadcast %broadcast_in_dim3A_236 : vector<128x1xf32> to vector<128x1024xf32>
    %broadcast_in_dim3A_238 = vector.broadcast %jit3A_235 : f32 to vector<128x1024xf32>
    %select_n3A_239 = arith.select %eq3A_234, %broadcast_in_dim3A_237, %broadcast_in_dim3A_238 : vector<128x1024xi1>, vector<128x1024xf32>
    %reduce_max3A_240 = arith.constant dense<0xFF800000> : vector<1024xf32>
    %reduce_max3A_241 = vector.multi_reduction <maximumf>, %select_n3A_239, %reduce_max3A_240 [0] : vector<128x1024xf32> to vector<1024xf32>
    %broadcast_in_dim3A_242 = vector.shape_cast %reduce_max3A_241 : vector<1024xf32> to vector<1x1024xf32>
    %eq3A_243 = vector.broadcast %broadcast_in_dim3A_242 : vector<1x1024xf32> to vector<128x1024xf32>
    %eq3A_244 = arith.cmpf oeq, %select_n3A_239, %eq3A_243 : vector<128x1024xf32>
    %jit3A_245 = arith.constant 1.000000e+00 : f32
    %jit3A_246 = arith.constant 0.000000e+00 : f32
    %broadcast_in_dim3A_247 = vector.broadcast %jit3A_245 : f32 to vector<128x1024xf32>
    %broadcast_in_dim3A_248 = vector.broadcast %jit3A_246 : f32 to vector<128x1024xf32>
    %select_n3A_249 = arith.select %eq3A_244, %broadcast_in_dim3A_247, %broadcast_in_dim3A_248 : vector<128x1024xi1>, vector<128x1024xf32>
    %sub3A_250 = arith.constant 1.280000e+02 : f32
    %sub3A_251 = vector.broadcast %sub3A_250 : f32 to vector<1x1024xf32>
    %sub3A_252 = arith.subf %sub3A_251, %broadcast_in_dim3A_242 : vector<1x1024xf32>
    %convert_element_type3A_253 = arith.fptosi %sub3A_252 : vector<1x1024xf32> to vector<1x1024xi32>
    %reshape3A_254 = vector.shape_cast %convert_element_type3A_253 : vector<1x1024xi32> to vector<1024xi32>
    %swap3A_255 = arith.constant 4096 : index
    %swap3A_256 = vector.load %arg3[%swap3A_255] : memref<8192xi32, #tpu.memory_space<vmem>>, vector<1024xi32>
    tpu.vector_store %arg3[%swap3A_255], %reshape3A_254 {strides = array<i32>} : memref<8192xi32, #tpu.memory_space<vmem>>, vector<1024xi32>,
    %dot_general3A_257 = arith.constant dense<0.000000e+00> : vector<128x1xf32>
    %dot_general3A_258 = tpu.matmul %select_n3A_249, %broadcast_in_dim3A_6, %dot_general3A_257 {dimension_numbers = #tpu.dot_dimension_numbers<[1], [0], [0], [1], [0, 0, 1, 1], [], []>, transpose_lhs_hint = false} : vector<128x1024xf32>, vector<1024x1xf32>, vector<128x1xf32> -> vector<128x1xf32>
    %add3A_259 = arith.addf %add3A_208, %dot_general3A_258 : vector<128x1xf32>
    %dot_general3A_260 = arith.constant dense<0.000000e+00> : vector<1x1xf32>
    %dot_general3A_261 = tpu.matmul %broadcast_in_dim3A_232, %broadcast_in_dim3A_6, %dot_general3A_260 {dimension_numbers = #tpu.dot_dimension_numbers<[1], [0], [0], [1], [0, 0, 1, 1], [], []>, transpose_lhs_hint = false} : vector<1x1024xf32>, vector<1024x1xf32>, vector<1x1xf32> -> vector<1x1xf32>
    %add3A_262 = arith.addf %add3A_211, %dot_general3A_261 : vector<1x1xf32>
    %get3A_263 = arith.constant 5 : index
    %get3A_264 = arith.constant 0 : index
    %get3A_265 = arith.constant 0 : index
    %get3A_266 = vector.load %arg1[%get3A_263, %get3A_264, %get3A_265] : memref<8x64x1024xf32, #tpu.memory_space<vmem>>, vector<1x64x1024xf32>
    %get3A_267 = vector.shape_cast %get3A_266 : vector<1x64x1024xf32> to vector<64x1024xf32>
    %mul3A_268 = arith.mulf %get3A_267, %get3A_267 : vector<64x1024xf32>
    %reduce_sum3A_269 = arith.constant dense<0.000000e+00> : vector<1024xf32>
    %reduce_sum3A_270 = vector.multi_reduction <add>, %mul3A_268, %reduce_sum3A_269 [0] : vector<64x1024xf32> to vector<1024xf32>
    %broadcast_in_dim3A_271 = vector.shape_cast %reduce_sum3A_270 : vector<1024xf32> to vector<1x1024xf32>
    %dot_general3A_272 = arith.constant dense<0.000000e+00> : vector<128x1024xf32>
    %dot_general3A_273 = tpu.matmul %get3A_1, %get3A_267, %dot_general3A_272 {dimension_numbers = #tpu.dot_dimension_numbers<[1], [0], [0], [1], [0, 0, 1, 1], [], []>, transpose_lhs_hint = false} : vector<128x64xf32>, vector<64x1024xf32>, vector<128x1024xf32> -> vector<128x1024xf32>
    %add3A_274 = vector.broadcast %broadcast_in_dim3A_271 : vector<1x1024xf32> to vector<128x1024xf32>
    %add3A_275 = vector.broadcast %broadcast_in_dim3A : vector<128x1xf32> to vector<128x1024xf32>
    %add3A_276 = arith.addf %add3A_274, %add3A_275 : vector<128x1024xf32>
    %mul3A_277 = arith.constant 2.000000e+00 : f32
    %mul3A_278 = vector.broadcast %mul3A_277 : f32 to vector<128x1024xf32>
    %mul3A_279 = arith.mulf %mul3A_278, %dot_general3A_273 : vector<128x1024xf32>
    %sub3A_280 = arith.subf %add3A_276, %mul3A_279 : vector<128x1024xf32>
    %reduce_min3A_281 = arith.constant dense<0x7F800000> : vector<1024xf32>
    %reduce_min3A_282 = vector.multi_reduction <minimumf>, %sub3A_280, %reduce_min3A_281 [0] : vector<128x1024xf32> to vector<1024xf32>
    %broadcast_in_dim3A_283 = vector.shape_cast %reduce_min3A_282 : vector<1024xf32> to vector<1x1024xf32>
    %eq3A_284 = vector.broadcast %broadcast_in_dim3A_283 : vector<1x1024xf32> to vector<128x1024xf32>
    %eq3A_285 = arith.cmpf oeq, %sub3A_280, %eq3A_284 : vector<128x1024xf32>
    %jit3A_286 = arith.constant 0.000000e+00 : f32
    %broadcast_in_dim3A_287 = vector.shape_cast %sub3A_4 : vector<128x1xf32> to vector<128x1xf32>
    %broadcast_in_dim3A_288 = vector.broadcast %broadcast_in_dim3A_287 : vector<128x1xf32> to vector<128x1024xf32>
    %broadcast_in_dim3A_289 = vector.broadcast %jit3A_286 : f32 to vector<128x1024xf32>
    %select_n3A_290 = arith.select %eq3A_285, %broadcast_in_dim3A_288, %broadcast_in_dim3A_289 : vector<128x1024xi1>, vector<128x1024xf32>
    %reduce_max3A_291 = arith.constant dense<0xFF800000> : vector<1024xf32>
    %reduce_max3A_292 = vector.multi_reduction <maximumf>, %select_n3A_290, %reduce_max3A_291 [0] : vector<128x1024xf32> to vector<1024xf32>
    %broadcast_in_dim3A_293 = vector.shape_cast %reduce_max3A_292 : vector<1024xf32> to vector<1x1024xf32>
    %eq3A_294 = vector.broadcast %broadcast_in_dim3A_293 : vector<1x1024xf32> to vector<128x1024xf32>
    %eq3A_295 = arith.cmpf oeq, %select_n3A_290, %eq3A_294 : vector<128x1024xf32>
    %jit3A_296 = arith.constant 1.000000e+00 : f32
    %jit3A_297 = arith.constant 0.000000e+00 : f32
    %broadcast_in_dim3A_298 = vector.broadcast %jit3A_296 : f32 to vector<128x1024xf32>
    %broadcast_in_dim3A_299 = vector.broadcast %jit3A_297 : f32 to vector<128x1024xf32>
    %select_n3A_300 = arith.select %eq3A_295, %broadcast_in_dim3A_298, %broadcast_in_dim3A_299 : vector<128x1024xi1>, vector<128x1024xf32>
    %sub3A_301 = arith.constant 1.280000e+02 : f32
    %sub3A_302 = vector.broadcast %sub3A_301 : f32 to vector<1x1024xf32>
    %sub3A_303 = arith.subf %sub3A_302, %broadcast_in_dim3A_293 : vector<1x1024xf32>
    %convert_element_type3A_304 = arith.fptosi %sub3A_303 : vector<1x1024xf32> to vector<1x1024xi32>
    %reshape3A_305 = vector.shape_cast %convert_element_type3A_304 : vector<1x1024xi32> to vector<1024xi32>
    %swap3A_306 = arith.constant 5120 : index
    %swap3A_307 = vector.load %arg3[%swap3A_306] : memref<8192xi32, #tpu.memory_space<vmem>>, vector<1024xi32>
    tpu.vector_store %arg3[%swap3A_306], %reshape3A_305 {strides = array<i32>} : memref<8192xi32, #tpu.memory_space<vmem>>, vector<1024xi32>,
    %dot_general3A_308 = arith.constant dense<0.000000e+00> : vector<128x1xf32>
    %dot_general3A_309 = tpu.matmul %select_n3A_300, %broadcast_in_dim3A_6, %dot_general3A_308 {dimension_numbers = #tpu.dot_dimension_numbers<[1], [0], [0], [1], [0, 0, 1, 1], [], []>, transpose_lhs_hint = false} : vector<128x1024xf32>, vector<1024x1xf32>, vector<128x1xf32> -> vector<128x1xf32>
    %add3A_310 = arith.addf %add3A_259, %dot_general3A_309 : vector<128x1xf32>
    %dot_general3A_311 = arith.constant dense<0.000000e+00> : vector<1x1xf32>
    %dot_general3A_312 = tpu.matmul %broadcast_in_dim3A_283, %broadcast_in_dim3A_6, %dot_general3A_311 {dimension_numbers = #tpu.dot_dimension_numbers<[1], [0], [0], [1], [0, 0, 1, 1], [], []>, transpose_lhs_hint = false} : vector<1x1024xf32>, vector<1024x1xf32>, vector<1x1xf32> -> vector<1x1xf32>
    %add3A_313 = arith.addf %add3A_262, %dot_general3A_312 : vector<1x1xf32>
    %get3A_314 = arith.constant 6 : index
    %get3A_315 = arith.constant 0 : index
    %get3A_316 = arith.constant 0 : index
    %get3A_317 = vector.load %arg1[%get3A_314, %get3A_315, %get3A_316] : memref<8x64x1024xf32, #tpu.memory_space<vmem>>, vector<1x64x1024xf32>
    %get3A_318 = vector.shape_cast %get3A_317 : vector<1x64x1024xf32> to vector<64x1024xf32>
    %mul3A_319 = arith.mulf %get3A_318, %get3A_318 : vector<64x1024xf32>
    %reduce_sum3A_320 = arith.constant dense<0.000000e+00> : vector<1024xf32>
    %reduce_sum3A_321 = vector.multi_reduction <add>, %mul3A_319, %reduce_sum3A_320 [0] : vector<64x1024xf32> to vector<1024xf32>
    %broadcast_in_dim3A_322 = vector.shape_cast %reduce_sum3A_321 : vector<1024xf32> to vector<1x1024xf32>
    %dot_general3A_323 = arith.constant dense<0.000000e+00> : vector<128x1024xf32>
    %dot_general3A_324 = tpu.matmul %get3A_1, %get3A_318, %dot_general3A_323 {dimension_numbers = #tpu.dot_dimension_numbers<[1], [0], [0], [1], [0, 0, 1, 1], [], []>, transpose_lhs_hint = false} : vector<128x64xf32>, vector<64x1024xf32>, vector<128x1024xf32> -> vector<128x1024xf32>
    %add3A_325 = vector.broadcast %broadcast_in_dim3A_322 : vector<1x1024xf32> to vector<128x1024xf32>
    %add3A_326 = vector.broadcast %broadcast_in_dim3A : vector<128x1xf32> to vector<128x1024xf32>
    %add3A_327 = arith.addf %add3A_325, %add3A_326 : vector<128x1024xf32>
    %mul3A_328 = arith.constant 2.000000e+00 : f32
    %mul3A_329 = vector.broadcast %mul3A_328 : f32 to vector<128x1024xf32>
    %mul3A_330 = arith.mulf %mul3A_329, %dot_general3A_324 : vector<128x1024xf32>
    %sub3A_331 = arith.subf %add3A_327, %mul3A_330 : vector<128x1024xf32>
    %reduce_min3A_332 = arith.constant dense<0x7F800000> : vector<1024xf32>
    %reduce_min3A_333 = vector.multi_reduction <minimumf>, %sub3A_331, %reduce_min3A_332 [0] : vector<128x1024xf32> to vector<1024xf32>
    %broadcast_in_dim3A_334 = vector.shape_cast %reduce_min3A_333 : vector<1024xf32> to vector<1x1024xf32>
    %eq3A_335 = vector.broadcast %broadcast_in_dim3A_334 : vector<1x1024xf32> to vector<128x1024xf32>
    %eq3A_336 = arith.cmpf oeq, %sub3A_331, %eq3A_335 : vector<128x1024xf32>
    %jit3A_337 = arith.constant 0.000000e+00 : f32
    %broadcast_in_dim3A_338 = vector.shape_cast %sub3A_4 : vector<128x1xf32> to vector<128x1xf32>
    %broadcast_in_dim3A_339 = vector.broadcast %broadcast_in_dim3A_338 : vector<128x1xf32> to vector<128x1024xf32>
    %broadcast_in_dim3A_340 = vector.broadcast %jit3A_337 : f32 to vector<128x1024xf32>
    %select_n3A_341 = arith.select %eq3A_336, %broadcast_in_dim3A_339, %broadcast_in_dim3A_340 : vector<128x1024xi1>, vector<128x1024xf32>
    %reduce_max3A_342 = arith.constant dense<0xFF800000> : vector<1024xf32>
    %reduce_max3A_343 = vector.multi_reduction <maximumf>, %select_n3A_341, %reduce_max3A_342 [0] : vector<128x1024xf32> to vector<1024xf32>
    %broadcast_in_dim3A_344 = vector.shape_cast %reduce_max3A_343 : vector<1024xf32> to vector<1x1024xf32>
    %eq3A_345 = vector.broadcast %broadcast_in_dim3A_344 : vector<1x1024xf32> to vector<128x1024xf32>
    %eq3A_346 = arith.cmpf oeq, %select_n3A_341, %eq3A_345 : vector<128x1024xf32>
    %jit3A_347 = arith.constant 1.000000e+00 : f32
    %jit3A_348 = arith.constant 0.000000e+00 : f32
    %broadcast_in_dim3A_349 = vector.broadcast %jit3A_347 : f32 to vector<128x1024xf32>
    %broadcast_in_dim3A_350 = vector.broadcast %jit3A_348 : f32 to vector<128x1024xf32>
    %select_n3A_351 = arith.select %eq3A_346, %broadcast_in_dim3A_349, %broadcast_in_dim3A_350 : vector<128x1024xi1>, vector<128x1024xf32>
    %sub3A_352 = arith.constant 1.280000e+02 : f32
    %sub3A_353 = vector.broadcast %sub3A_352 : f32 to vector<1x1024xf32>
    %sub3A_354 = arith.subf %sub3A_353, %broadcast_in_dim3A_344 : vector<1x1024xf32>
    %convert_element_type3A_355 = arith.fptosi %sub3A_354 : vector<1x1024xf32> to vector<1x1024xi32>
    %reshape3A_356 = vector.shape_cast %convert_element_type3A_355 : vector<1x1024xi32> to vector<1024xi32>
    %swap3A_357 = arith.constant 6144 : index
    %swap3A_358 = vector.load %arg3[%swap3A_357] : memref<8192xi32, #tpu.memory_space<vmem>>, vector<1024xi32>
    tpu.vector_store %arg3[%swap3A_357], %reshape3A_356 {strides = array<i32>} : memref<8192xi32, #tpu.memory_space<vmem>>, vector<1024xi32>,
    %dot_general3A_359 = arith.constant dense<0.000000e+00> : vector<128x1xf32>
    %dot_general3A_360 = tpu.matmul %select_n3A_351, %broadcast_in_dim3A_6, %dot_general3A_359 {dimension_numbers = #tpu.dot_dimension_numbers<[1], [0], [0], [1], [0, 0, 1, 1], [], []>, transpose_lhs_hint = false} : vector<128x1024xf32>, vector<1024x1xf32>, vector<128x1xf32> -> vector<128x1xf32>
    %add3A_361 = arith.addf %add3A_310, %dot_general3A_360 : vector<128x1xf32>
    %dot_general3A_362 = arith.constant dense<0.000000e+00> : vector<1x1xf32>
    %dot_general3A_363 = tpu.matmul %broadcast_in_dim3A_334, %broadcast_in_dim3A_6, %dot_general3A_362 {dimension_numbers = #tpu.dot_dimension_numbers<[1], [0], [0], [1], [0, 0, 1, 1], [], []>, transpose_lhs_hint = false} : vector<1x1024xf32>, vector<1024x1xf32>, vector<1x1xf32> -> vector<1x1xf32>
    %add3A_364 = arith.addf %add3A_313, %dot_general3A_363 : vector<1x1xf32>
    %get3A_365 = arith.constant 7 : index
    %get3A_366 = arith.constant 0 : index
    %get3A_367 = arith.constant 0 : index
    %get3A_368 = vector.load %arg1[%get3A_365, %get3A_366, %get3A_367] : memref<8x64x1024xf32, #tpu.memory_space<vmem>>, vector<1x64x1024xf32>
    %get3A_369 = vector.shape_cast %get3A_368 : vector<1x64x1024xf32> to vector<64x1024xf32>
    %mul3A_370 = arith.mulf %get3A_369, %get3A_369 : vector<64x1024xf32>
    %reduce_sum3A_371 = arith.constant dense<0.000000e+00> : vector<1024xf32>
    %reduce_sum3A_372 = vector.multi_reduction <add>, %mul3A_370, %reduce_sum3A_371 [0] : vector<64x1024xf32> to vector<1024xf32>
    %broadcast_in_dim3A_373 = vector.shape_cast %reduce_sum3A_372 : vector<1024xf32> to vector<1x1024xf32>
    %dot_general3A_374 = arith.constant dense<0.000000e+00> : vector<128x1024xf32>
    %dot_general3A_375 = tpu.matmul %get3A_1, %get3A_369, %dot_general3A_374 {dimension_numbers = #tpu.dot_dimension_numbers<[1], [0], [0], [1], [0, 0, 1, 1], [], []>, transpose_lhs_hint = false} : vector<128x64xf32>, vector<64x1024xf32>, vector<128x1024xf32> -> vector<128x1024xf32>
    %add3A_376 = vector.broadcast %broadcast_in_dim3A_373 : vector<1x1024xf32> to vector<128x1024xf32>
    %add3A_377 = vector.broadcast %broadcast_in_dim3A : vector<128x1xf32> to vector<128x1024xf32>
    %add3A_378 = arith.addf %add3A_376, %add3A_377 : vector<128x1024xf32>
    %mul3A_379 = arith.constant 2.000000e+00 : f32
    %mul3A_380 = vector.broadcast %mul3A_379 : f32 to vector<128x1024xf32>
    %mul3A_381 = arith.mulf %mul3A_380, %dot_general3A_375 : vector<128x1024xf32>
    %sub3A_382 = arith.subf %add3A_378, %mul3A_381 : vector<128x1024xf32>
    %reduce_min3A_383 = arith.constant dense<0x7F800000> : vector<1024xf32>
    %reduce_min3A_384 = vector.multi_reduction <minimumf>, %sub3A_382, %reduce_min3A_383 [0] : vector<128x1024xf32> to vector<1024xf32>
    %broadcast_in_dim3A_385 = vector.shape_cast %reduce_min3A_384 : vector<1024xf32> to vector<1x1024xf32>
    %eq3A_386 = vector.broadcast %broadcast_in_dim3A_385 : vector<1x1024xf32> to vector<128x1024xf32>
    %eq3A_387 = arith.cmpf oeq, %sub3A_382, %eq3A_386 : vector<128x1024xf32>
    %jit3A_388 = arith.constant 0.000000e+00 : f32
    %broadcast_in_dim3A_389 = vector.shape_cast %sub3A_4 : vector<128x1xf32> to vector<128x1xf32>
    %broadcast_in_dim3A_390 = vector.broadcast %broadcast_in_dim3A_389 : vector<128x1xf32> to vector<128x1024xf32>
    %broadcast_in_dim3A_391 = vector.broadcast %jit3A_388 : f32 to vector<128x1024xf32>
    %select_n3A_392 = arith.select %eq3A_387, %broadcast_in_dim3A_390, %broadcast_in_dim3A_391 : vector<128x1024xi1>, vector<128x1024xf32>
    %reduce_max3A_393 = arith.constant dense<0xFF800000> : vector<1024xf32>
    %reduce_max3A_394 = vector.multi_reduction <maximumf>, %select_n3A_392, %reduce_max3A_393 [0] : vector<128x1024xf32> to vector<1024xf32>
    %broadcast_in_dim3A_395 = vector.shape_cast %reduce_max3A_394 : vector<1024xf32> to vector<1x1024xf32>
    %eq3A_396 = vector.broadcast %broadcast_in_dim3A_395 : vector<1x1024xf32> to vector<128x1024xf32>
    %eq3A_397 = arith.cmpf oeq, %select_n3A_392, %eq3A_396 : vector<128x1024xf32>
    %jit3A_398 = arith.constant 1.000000e+00 : f32
    %jit3A_399 = arith.constant 0.000000e+00 : f32
    %broadcast_in_dim3A_400 = vector.broadcast %jit3A_398 : f32 to vector<128x1024xf32>
    %broadcast_in_dim3A_401 = vector.broadcast %jit3A_399 : f32 to vector<128x1024xf32>
    %select_n3A_402 = arith.select %eq3A_397, %broadcast_in_dim3A_400, %broadcast_in_dim3A_401 : vector<128x1024xi1>, vector<128x1024xf32>
    %sub3A_403 = arith.constant 1.280000e+02 : f32
    %sub3A_404 = vector.broadcast %sub3A_403 : f32 to vector<1x1024xf32>
    %sub3A_405 = arith.subf %sub3A_404, %broadcast_in_dim3A_395 : vector<1x1024xf32>
    %convert_element_type3A_406 = arith.fptosi %sub3A_405 : vector<1x1024xf32> to vector<1x1024xi32>
    %reshape3A_407 = vector.shape_cast %convert_element_type3A_406 : vector<1x1024xi32> to vector<1024xi32>
    %swap3A_408 = arith.constant 7168 : index
    %swap3A_409 = vector.load %arg3[%swap3A_408] : memref<8192xi32, #tpu.memory_space<vmem>>, vector<1024xi32>
    tpu.vector_store %arg3[%swap3A_408], %reshape3A_407 {strides = array<i32>} : memref<8192xi32, #tpu.memory_space<vmem>>, vector<1024xi32>,
    %dot_general3A_410 = arith.constant dense<0.000000e+00> : vector<128x1xf32>
    %dot_general3A_411 = tpu.matmul %select_n3A_402, %broadcast_in_dim3A_6, %dot_general3A_410 {dimension_numbers = #tpu.dot_dimension_numbers<[1], [0], [0], [1], [0, 0, 1, 1], [], []>, transpose_lhs_hint = false} : vector<128x1024xf32>, vector<1024x1xf32>, vector<128x1xf32> -> vector<128x1xf32>
    %add3A_412 = arith.addf %add3A_361, %dot_general3A_411 : vector<128x1xf32>
    %dot_general3A_413 = arith.constant dense<0.000000e+00> : vector<1x1xf32>
    %dot_general3A_414 = tpu.matmul %broadcast_in_dim3A_385, %broadcast_in_dim3A_6, %dot_general3A_413 {dimension_numbers = #tpu.dot_dimension_numbers<[1], [0], [0], [1], [0, 0, 1, 1], [], []>, transpose_lhs_hint = false} : vector<1x1024xf32>, vector<1024x1xf32>, vector<1x1xf32> -> vector<1x1xf32>
    %add3A_415 = arith.addf %add3A_364, %dot_general3A_414 : vector<1x1xf32>
    %swap3A_416 = arith.constant 0 : index
    %swap3A_417 = arith.constant 0 : index
    %swap3A_418 = vector.load %arg6[%swap3A_416, %swap3A_417] : memref<128x1xf32, #tpu.memory_space<vmem>>, vector<128x1xf32>
    tpu.vector_store %arg6[%swap3A_416, %swap3A_417], %add3A_412 {strides = array<i32>} : memref<128x1xf32, #tpu.memory_space<vmem>>, vector<128x1xf32>,
    %swap3A_419 = arith.constant 0 : index
    %swap3A_420 = arith.constant 0 : index
    %swap3A_421 = vector.load %arg7[%swap3A_419, %swap3A_420] : memref<1x1xf32, #tpu.memory_space<vmem>>, vector<1x1xf32>
    tpu.vector_store %arg7[%swap3A_419, %swap3A_420], %add3A_415 {strides = array<i32>} : memref<1x1xf32, #tpu.memory_space<vmem>>, vector<1x1xf32>,
    %eq3A_422 = arith.constant 7 : i32
    %eq3A_423 = arith.cmpi eq, %arg0, %eq3A_422 : i32
    %convert_element_type3A_424 = arith.extui %eq3A_423 : i1 to i32
    %cond3A_425 = arith.constant 0 : i32
    %cond3A_426 = arith.cmpi ne, %convert_element_type3A_424, %cond3A_425 : i32
    scf.if %cond3A_426 {
      %get3A_427 = arith.constant 0 : index
      %get3A_428 = arith.constant 0 : index
      %get3A_429 = vector.load %arg7[%get3A_427, %get3A_428] : memref<1x1xf32, #tpu.memory_space<vmem>>, vector<1x1xf32>
      %mul3A_430 = arith.constant 2.98023224E-7 : f32
      %mul3A_431 = vector.broadcast %mul3A_430 : f32 to vector<1x1xf32>
      %mul3A_432 = arith.mulf %mul3A_431, %get3A_429 : vector<1x1xf32>
      %swap3A_433 = arith.constant 0 : index
      %swap3A_434 = arith.constant 0 : index
      %swap3A_435 = vector.load %arg4[%swap3A_433, %swap3A_434] : memref<1x1xf32, #tpu.memory_space<vmem>>, vector<1x1xf32>
      tpu.vector_store %arg4[%swap3A_433, %swap3A_434], %mul3A_432 {strides = array<i32>} : memref<1x1xf32, #tpu.memory_space<vmem>>, vector<1x1xf32>,
      %get3A_436 = arith.constant 0 : index
      %get3A_437 = arith.constant 0 : index
      %get3A_438 = vector.load %arg6[%get3A_436, %get3A_437] : memref<128x1xf32, #tpu.memory_space<vmem>>, vector<128x1xf32>
      %mul3A_439 = arith.constant 1.52587891E-5 : f32
      %mul3A_440 = vector.broadcast %mul3A_439 : f32 to vector<128x1xf32>
      %mul3A_441 = arith.mulf %get3A_438, %mul3A_440 : vector<128x1xf32>
      %add3A_442 = arith.constant 1.000000e-10 : f32
      %add3A_443 = vector.broadcast %add3A_442 : f32 to vector<128x1xf32>
      %add3A_444 = arith.addf %mul3A_441, %add3A_443 : vector<128x1xf32>
      %log3A = math.log %add3A_444 : vector<128x1xf32>
      %mul3A_445 = arith.mulf %mul3A_441, %log3A : vector<128x1xf32>
      %reduce_sum3A_446 = arith.constant dense<0.000000e+00> : vector<1xf32>
      %reduce_sum3A_447 = vector.multi_reduction <add>, %mul3A_445, %reduce_sum3A_446 [0] : vector<128x1xf32> to vector<1xf32>
      %broadcast_in_dim3A_448 = vector.shape_cast %reduce_sum3A_447 : vector<1xf32> to vector<1x1xf32>
      %neg3A = arith.constant 0.000000e+00 : f32
      %neg3A_449 = vector.broadcast %neg3A : f32 to vector<1x1xf32>
      %neg3A_450 = arith.subf %neg3A_449, %broadcast_in_dim3A_448 : vector<1x1xf32>
      %exp3A = math.exp %neg3A_450 : vector<1x1xf32>
      %swap3A_451 = arith.constant 0 : index
      %swap3A_452 = arith.constant 0 : index
      %swap3A_453 = vector.load %arg5[%swap3A_451, %swap3A_452] : memref<1x1xf32, #tpu.memory_space<vmem>>, vector<1x1xf32>
      tpu.vector_store %arg5[%swap3A_451, %swap3A_452], %exp3A {strides = array<i32>} : memref<1x1xf32, #tpu.memory_space<vmem>>, vector<1x1xf32>,
    } else {
    }
    return
  }
  func.func @transform_0(%arg0: i32) -> (i32, i32, i32) {
    %c0_i32 = arith.constant 0 : i32
    %c0_i32_0 = arith.constant 0 : i32
    %c0_i32_1 = arith.constant 0 : i32
    return %arg0, %c0_i32, %c0_i32_0 : i32, i32, i32
  }
  func.func @transform_1(%arg0: i32) -> (i32, i32) {
    %c0_i32 = arith.constant 0 : i32
    %c0_i32_0 = arith.constant 0 : i32
    %c0_i32_1 = arith.constant 0 : i32
    return %c0_i32, %c0_i32_0 : i32, i32
  }
  func.func @transform_2(%arg0: i32) -> i32 {
    %c0_i32 = arith.constant 0 : i32
    return %arg0 : i32
  }
  func.func @transform_3(%arg0: i32) -> (i32, i32) {
    %c0_i32 = arith.constant 0 : i32
    %c0_i32_0 = arith.constant 0 : i32
    %c0_i32_1 = arith.constant 0 : i32
    return %c0_i32, %c0_i32_0 : i32, i32
  }
  func.func @transform_4(%arg0: i32) -> (i32, i32) {
    %c0_i32 = arith.constant 0 : i32
    %c0_i32_0 = arith.constant 0 : i32
    %c0_i32_1 = arith.constant 0 : i32
    return %c0_i32, %c0_i32_0 : i32, i32
  }
}

</mosaic_0001>

<sc_bundles>
// kernel: kernel.4.cloned.1.call-start
scs
__scs_entry_jumppad:
0x0: {  	(pc) =	sbr.rel $0x88, $3  }
0x1: {  	(tag) =	ssettag $0x0;
	lr =	simm.s32 $0x1  }
0x2: {  	[smem:$0x3F9F] =	sst lr;
	_ =	strace $0xD0000000  }
0x3: {  	_ = 	snop  }
0x4: {  	_ = 	snop  }
0x5: {  	_ = 	snop  }
0x6: {  	_ = 	snop  }
0x7: {  	_ = 	snop  }
__scs_overlays_trampoline_lowered:
0x8: {  	[smem:$0x3FAE] =	sst s0  }
0x9: {  	[smem:$0x3FAF] =	sst s1  }
0xa: {  	[smem:$0x3FB0] =	sst s2  }
0xb: {  	[smem:$0x3FB1] =	sst s3  }
0xc: {  	[smem:$0x3FB2] =	sst s4  }
0xd: {  	[smem:$0x3FB3] =	sst s5  }
0xe: {  	[smem:$0x3FB4] =	sst s6  }
0xf: {  	[smem:$0x3FB5] =	sst s7  }
0x10: {  	[smem:$0x3FB6] =	sst s8  }
0x11: {  	[smem:$0x3FB7] =	sst s9;
	s0 =	simm.s32 @!p0 $0x0  }
0x12: {  	s1 =	sld [smem:$0x3F9D];
	s0 =	simm.s32 @p0 $0x1  }
0x13: {  	[smem:$0x3FB8] =	sst s0;
	s0 =	simm.s32 @!p1 $0x0  }
0x14: {  	s2 =	sld [smem:$0x3F9C];
	s0 =	simm.s32 @p1 $0x1  }
0x15: {  	[smem:$0x3FB9] =	sst s0;
	s0 =	simm.s32 @!p2 $0x0  }
0x16: {  	s3 =	sld [smem:$0x3FDB];
	s0 =	simm.s32 @p2 $0x1  }
0x17: {  	s4 =	simm.s32 $0x1BF5;
	[smem:$0x3FBB] =	sst s0  }
0x18: {  	s0 =	sld [smem:$0x3F9E];
	_ =	swait.ge [sflag:s4], $0x0  }
0x19: {  	s7 =	sld [smem:$0x3F9F]  }
0x1a: {  	s8 =	sadd.s32 $0xFFFFE003, lr  }
0x1b: {  	s9 =	sadd.s32 $0xFFFFFEF7, lr;
	s5 =	simm.s32 $0xFFFFFFFF;
	p2 =	slt.u32 s8, $0xFFFFF086  }
0x1c: {  	p1 =	slt.u32 s9, $0xF7A;
	s5 =	simm.s32 @!p2 $0x0  }
0x1d: {  	s5 =	simm.s32 @p1 $0x1;
	p0 =	seq.s32 s7, s2  }
0x1e: {  	s7 =	smul.u32 @!p0 $0xF7A, s2;
	p2 =	seq.s32 @!p0 s5, $0x0  }
0x1f: {  	s9 =	smul.u32 $0xF7A, s1;
	s8 =	simm.s32 @!p0 $0x1BF5;
	p2 =	por !p2, p0  }
0x20: {  	[sflag:s8] =	ssyncset.s32 @!p0 $0xFFFFF086;
	s6 =	sadd.s32 @!p0 s3, s7;
	s7 =	simm.s32 @!p0 $0x108  }
0x21: {  	s3 =	sadd.s32 s3, s9;
	s6 =	sadd.s32 @!p0 $0x88, s6;
	s7 =	simm.s32 @p2 $0x1082  }
0x22: {  	[simem:s7], [sflag:s8] =	dma.local @!p0 [hbm:s6], $0xF7A  }
0x23: {  	s9 =	sor.u32 $0xD0000000, s2;
	s6 =	simm.s32 $0x108;
	_ =	swait.ge @!p0 [sflag:s8], $0x0  }
0x24: {  	s3 =	sadd.s32 $0x88, s3;
	s6 =	simm.s32 @!p1 $0x1082;
	[sflag:s4] =	ssyncset.s32 $0xFFFFF086  }
0x25: {  	[simem:s6], [sflag:s4] =	dma.local [hbm:s3], $0xF7A  }
0x26: {  	[smem:$0x3F9F] =	sst s1;
	(tag) =	ssettag s2;
	_ =	strace s9  }
0x27: {  	s1 =	sld [smem:$0x3FAF]  }
0x28: {  	s2 =	sld [smem:$0x3FB0]  }
0x29: {  	s4 =	sld [smem:$0x3FB2]  }
0x2a: {  	p0 =	seq.s32 s5, $0x0;
	s5 =	sld [smem:$0x3FB3]  }
0x2b: {  	s6 =	sld [smem:$0x3FB4]  }
0x2c: {  	s7 =	sld [smem:$0x3FB5]  }
0x2d: {  	s3 =	simm.s32 $0x108;
	s8 =	sld [smem:$0x3FB6]  }
0x2e: {  	s3 =	simm.s32 @!p0 $0x1082;
	s9 =	sld [smem:$0x3FB7]  }
0x2f: {  	lr =	sadd.s32 s0, s3;
	s0 =	sld [smem:$0x3FAE]  }
0x30: {  	s3 =	sld [smem:$0x3FB1]  }
0x31: {  	[smem:$0x3FBA] =	sst s10  }
0x32: {  	s10 =	sld [smem:$0x3FB8];
	_ =	sdelay $0x3  }
0x33: {  	p0 =	seq.s32 s10, $0x1;
	s10 =	sld [smem:$0x3FBA];
	_ =	sdelay $0x3  }
0x34: {  	[smem:$0x3FBA] =	sst s10  }
0x35: {  	s10 =	sld [smem:$0x3FB9];
	_ =	sdelay $0x3  }
0x36: {  	p1 =	seq.s32 s10, $0x1;
	s10 =	sld [smem:$0x3FBA];
	_ =	sdelay $0x3  }
0x37: {  	[smem:$0x3FBA] =	sst s10  }
0x38: {  	s10 =	sld [smem:$0x3FBB]  }
0x39: {  	_ = 	snop;
	(pc) =	sbr.ind lr, $3  }
0x3a: {  	_ = 	snop  }
0x3b: {  	_ = 	snop  }
0x3c: {  	p2 =	seq.s32 s10, $0x1;
	s10 =	sld [smem:$0x3FBA]  }
0x3d: {  	_ =	shalt  }
0x3e: {  	_ =	shalt  }
0x3f: {  	_ =	shalt  }
0x40: {  	_ =	shalt  }
0x41: {  	_ =	shalt  }
0x42: {  	_ =	shalt  }
0x43: {  	_ =	shalt  }
0x44: {  	_ =	shalt  }
0x45: {  	_ =	shalt  }
0x46: {  	_ =	shalt  }
0x47: {  	_ =	shalt  }
0x48: {  	_ =	shalt  }
0x49: {  	_ =	shalt  }
0x4a: {  	_ =	shalt  }
0x4b: {  	_ =	shalt  }
0x4c: {  	_ =	shalt  }
0x4d: {  	_ =	shalt  }
0x4e: {  	_ =	shalt  }
0x4f: {  	_ =	shalt  }
0x50: {  	_ =	shalt  }
0x51: {  	_ =	shalt  }
0x52: {  	_ =	shalt  }
0x53: {  	_ =	shalt  }
0x54: {  	_ =	shalt  }
0x55: {  	_ =	shalt  }
0x56: {  	_ =	shalt  }
0x57: {  	_ =	shalt  }
0x58: {  	_ =	shalt  }
0x59: {  	_ =	shalt  }
0x5a: {  	_ =	shalt  }
0x5b: {  	_ =	shalt  }
0x5c: {  	_ =	shalt  }
0x5d: {  	_ =	shalt  }
0x5e: {  	_ =	shalt  }
0x5f: {  	_ =	shalt  }
0x60: {  	_ =	shalt  }
0x61: {  	_ =	shalt  }
0x62: {  	_ =	shalt  }
0x63: {  	_ =	shalt  }
0x64: {  	_ =	shalt  }
0x65: {  	_ =	shalt  }
0x66: {  	_ =	shalt  }
0x67: {  	_ =	shalt  }
0x68: {  	_ =	shalt  }
0x69: {  	_ =	shalt  }
0x6a: {  	_ =	shalt  }
0x6b: {  	_ =	shalt  }
0x6c: {  	_ =	shalt  }
0x6d: {  	_ =	shalt  }
0x6e: {  	_ =	shalt  }
0x6f: {  	_ =	shalt  }
0x70: {  	_ =	shalt  }
0x71: {  	_ =	shalt  }
0x72: {  	_ =	shalt  }
0x73: {  	_ =	shalt  }
0x74: {  	_ =	shalt  }
0x75: {  	_ =	shalt  }
0x76: {  	_ =	shalt  }
0x77: {  	_ =	shalt  }
0x78: {  	_ =	shalt  }
0x79: {  	_ =	shalt  }
0x7a: {  	_ =	shalt  }
0x7b: {  	_ =	shalt  }
0x7c: {  	_ =	shalt  }
0x7d: {  	_ =	shalt  }
0x7e: {  	_ =	shalt  }
0x7f: {  	_ =	shalt  }
0x80: {  	_ =	shalt  }
0x81: {  	_ =	shalt  }
0x82: {  	_ =	shalt  }
0x83: {  	_ =	shalt  }
0x84: {  	_ =	shalt  }
0x85: {  	_ =	shalt  }
0x86: {  	_ =	shalt  }
0x87: {  	_ =	shalt  }
.Lfunc_end0:
.L_simem_size_0:
called_computation_lowered:
.L_overlay_start_0:
0x88: {  	s2 =	sld [smem:$0x3FD9]  }
0x89: {  	s3 =	sld [smem:$0x3FFE];
	_ =	sdelay $0x1  }
0x8a: {  	s1 =	srdreg.scid  }
0x8b: {  	s0 =	sand.u32 $0x1, s1  }
0x8c: {  	s14 =	sshll.u32 s0, $0xA;
	s2 =	sadd.s32 s3, s2  }
0x8d: {  	s2 =	sadd.s32 s2, s14  }
0x8e: {  	[smem:$0x3FC6] =	sst s2  }
0x8f: {  	_ = 	snop  }
0x90: {  	s2 =	sld [smem:$0x3FD0];
	_ =	sdelay $0x2  }
0x91: {  	s15 =	simm.s32 $0xA;
	s4 =	simm.s32 $0x10  }
0x92: {  	[smem:s4], [sflag:s15] =	dma.local [hbm:s2], $0x1  }
0x93: {  	_ =	swait.eq [sflag:s15], $0x1  }
0x94: {  	[sflag:s15] =	ssyncset.done $0x0  }
0x95: {  	s16 =	sld [smem:$0x11];
	[sflag:s15] =	ssyncadd.s32 $0xFFFFFFFF  }
0x96: {  	s17 =	sld [smem:$0x13];
	(tm) =	ssettm $0x1  }
0x97: {  	s18 =	sld [smem:$0x3FFB];
	_ =	sdelay $0x3  }
0x98: {  	_ =	strace s18  }
0x99: {  	s4 =	sld [smem:$0x3FFC];
	_ =	sdelay $0x3  }
0x9a: {  	_ =	strace s4  }
0x9b: {  	s4 =	sld [smem:$0x3FFD];
	_ =	sdelay $0x3  }
0x9c: {  	_ =	strace s4  }
0x9d: {  	_ =	strace $0x8FFFFFFF  }
0x9e: {  	s19 =	sld [smem:$0x3FDB];
	_ =	sdelay $0x1  }
0x9f: {  	s5 =	simm.s32 $_scs_section_size  }
0xa0: {  	s6 =	simm.s32 $_size__tile_overlayer_lowered;
	s7 =	simm.s32 $_tile_overlayer_lowered  }
0xa1: {  	s22 =	simm.s32 $0x1BFF;
	s21 =	sshll.u32 s7, $0x1;
	s4 =	sadd.s32 s5, s19  }
0xa2: {  	s8 =	simm.s32 $0x0;
	s20 =	sshll.u32 s6, $0x1;
	s6 =	sadd.s32 s21, s4  }
0xa3: {  	[timem:s8], [sflag:s22] =	dma.local [hbm:s6], s20  }
0xa4: {  	_ =	swait.ge [sflag:s22], s20  }
0xa5: {  	s5 =	ssub.s32 $0x0, s20;
	[sflag:s22] =	ssyncset.done $0x0  }
0xa6: {  	[sflag:s22] =	ssyncadd.s32 s5;
	_ =	sdelay $0x1  }
0xa7: {  	s23 =	simm.s32 $0x1B8B  }
0xa8: {  	_ =	swait.ge [sflag:s23], $0x1  }
0xa9: {  	[sflag:s23] =	ssyncset.done $0x0  }
0xaa: {  	s25 =	simm.s32 $0x1B8E;
	s24 =	sld [smem:$0x3FFE];
	[sflag:s23] =	ssyncadd.s32 $0xFFFFFFFF  }
0xab: {  	s26 =	simm.s32 $execute0_lowered;
	[smem:$0x3FD2] =	sst s25  }
0xac: {  	s6 =	sshll.u32 s26, $0x1;
	_ =	strace $0x80000046;
	[dreg:$0x1] =	wrdreg $0xFFFFFFFF  }
0xad: {  	s28 =	simm.s32 $_size_execute0_lowered;
	s4 =	sadd.s32 s4, s6;
	[dreg:$0x0] =	wrdreg $0x0  }
0xae: {  	s6 =	sshll.u32 s28, $0x1;
	[dreg:$0x2] =	wrdreg s4  }
0xaf: {  	[dreg:$0x3] =	wrdreg s6  }
0xb0: {  	[dreg:$0x4] =	wrdreg $0xC0  }
0xb1: {  	_ =	task [dreg:s8], $0x5FFFF  }
0xb2: {  	[dreg:$0x1] =	wrdreg $0xFFFFFFFF  }
0xb3: {  	[dreg:$0x0] =	wrdreg $0x60  }
0xb4: {  	[dreg:$0x2] =	wrdreg s16  }
0xb5: {  	[dreg:$0x3] =	wrdreg s17  }
0xb6: {  	[dreg:$0x4] =	wrdreg s24  }
0xb7: {  	[dreg:$0x5] =	wrdreg $0x9  }
0xb8: {  	_ =	task.clear_ibuf [dreg:s8], $0x6FFFF;
	_ =	strace $0x90000046  }
0xb9: {  	s29 =	simm.s32 $0x9;
	_ =	strace $0x80000048  }
0xba: {  	_ =	swait.ge [sflag:s29], $0x1  }
0xbb: {  	[sflag:s29] =	ssyncadd.s32 $0xFFFFFFFF  }
0xbc: {  	_ =	strace $0x90000048  }
0xbd: {  	_ =	sfence  }
0xbe: {  	s30 =	sld [smem:$0x0];
	_ =	sdelay $0x2  }
0xbf: {  	s31 =	sshll.u32 s1, $0xD;
	s1 =	sshrl.u32 s1, $0x2  }
0xc0: {  	s3 =	sand.u32 $0x4000, s31;
	s1 =	sadd.s32 s1, s30  }
0xc1: {  	s0 =	sor.u32 s3, s0;
	s1 =	sshll.u32 s1, $0x11  }
0xc2: {  	s0 =	sor.u32 s1, s0  }
0xc3: {  	s0 =	sadd.s32 $0x8F2B, s0  }
0xc4: {  	[sflag:s0] =	ssyncadd.remote.s32 $0x1  }
0xc5: {  	_ =	sfence.sel $0xFFFF  }
0xc6: {  	[dreg:$0x0] =	wrdreg $0xFFFFFFFF;
	(pc) =	sbr.abs _section_cstart, $3  }
0xc7: {  	[dreg:$0x1] =	wrdreg $0xFFFFFFFF  }
0xc8: {  	_ =	task.clear_ibuf [dreg:s8], $0x2FFFF;
	_ =	strace $0x9FFFFFFF  }
0xc9: {  	(tm) =	ssettm $0x7FFFFFFF  }
tec
execute0_lowered:
.L_overlay_start_1:
0x0: {  	(tag) =	ssettag $0x1  }
0x1: {  	s1 =	rddreg [dreg:$0x0]  }
0x2: {  	s6 =	rddreg [dreg:$0x1]  }
0x3: {  	s4 =	rddreg [dreg:$0x2]  }
0x4: {  	s0 =	rddreg [dreg:$0x3]  }
0x5: {  	s3 =	simm.s32 $0x0;
	s2 =	stileid.u32;
	s5 =	srdreg.scid  }
0x6: {  	[smem:$0x7FF] =	sst s3;
	s7 =	sshll.u32 s2, $0x10;
	s5 =	sand.u32 $0x1, s5  }
0x7: {  	s9 =	sshll.u32 s2, $0xC;
	_ =	strace $0x80000047;
	s7 =	sadd.s32 s7, s4  }
0x8: {  	s29 =	ssub.s32 $0x2, s5;
	s10 =	sshll.u32 s5, $0xB;
	s5 =	sshll.u32 s5, $0xF  }
0x9: {  	s8 =	sshrl.u32 s29, $0x1;
	s30 =	sor.u32 s10, s9;
	s5 =	sadd.s32 s5, s7  }
0xa: {  	s7 =	simm.s32 $0x2;
	s9 =	simm.s32 $0x1;
	s10 =	simm.s32 $0x0  }
0xb: {  	s4 =	ssub.s32 s29, s8;
	s31 =	sshrl.u32 s30, $0x3;
	s5 =	sadd.s32 $0x800, s5  }
0xc: {  	s8 =	simm.s32 $0x80;
	s4 =	smax.u32 s4, $0x1;
	s6 =	sadd.s32 s31, s6  }
.LBB2_1:
0xd: {  	s11 =	sadd.s32 $0x0, s6  }
0xe: {  	[tilespmem:s3], [sflag:$0x2] =	stream.linear.gather [hbm4b:s11+s3], $0x80, $0x38;
	[tilespmem:$0x4080] =	vst v63  }
0xf: {  	_ =	swait.ge [sflag:s7], $0x80  }
0x10: {  	[sflag:s7] =	ssyncset.done $0x0  }
0x11: {  	[sflag:s7] =	ssyncadd.s32 $0xFFFFFF80  }
0x12: {  	[tilespmem:s8], [sflag:$0x1] =	stream.indirect.gather [hbm4b:s1+s8], $0x80, s3, s8, $0xb8;
	[tilespmem:$0x4080] =	vst v63  }
0x13: {  	_ =	swait.ge [sflag:s9], $0x4000  }
0x14: {  	[sflag:s9] =	ssyncset.done $0x0  }
0x15: {  	[sflag:s9] =	ssyncadd.s32 $0xFFFFC000  }
0x16: {  	[hbm4b:s5+s3] =	stream.linear.scatter [tilespmem:s8], [sflag:$0x2], $0x4000, $0x38;
	[tilespmem:$0x4080] =	vst v63  }
0x17: {  	s12 =	simm.s32 $0x10;
	_ =	swait.ge [sflag:s7], $0x4000  }
0x18: {  	s13 =	simm.s32 $0x20;
	s11 =	sadd.s32 $0x800, s5;
	[sflag:s7] =	ssyncset.done $0x0  }
.LBB2_2:
0x19: {  	s14 =	sadd.s32 s12, s6  }
0x1a: {  	[sflag:s7] =	ssyncadd.s32 $0xFFFFC000;
	s12 =	smov.u32 s13;
	s15 =	sadd.s32 $0x10, s13  }
0x1b: {  	[tilespmem:s3], [sflag:$0x2] =	stream.linear.gather [hbm4b:s14+s3], $0x80, $0x38;
	[tilespmem:$0x4080] =	vst v63  }
0x1c: {  	p0 =	sne.s32 s13, $0xF0;
	_ =	swait.ge [sflag:s7], $0x80  }
0x1d: {  	[sflag:s7] =	ssyncset.done $0x0  }
0x1e: {  	[sflag:s7] =	ssyncadd.s32 $0xFFFFFF80  }
0x1f: {  	[tilespmem:s8], [sflag:$0x1] =	stream.indirect.gather [hbm4b:s1+s8], $0x80, s3, s8, $0xb8;
	[tilespmem:$0x4080] =	vst v63  }
0x20: {  	_ =	swait.ge [sflag:s9], $0x4000  }
.Ltmp0:
0x21: {  	[sflag:s9] =	ssyncset.done $0x0;
	(pc) =	sbr.rel @p0 .LBB2_2-.Ltmp0, $4  }
0x22: {  	[sflag:s9] =	ssyncadd.s32 $0xFFFFC000  }
0x23: {  	[hbm4b:s11+s3] =	stream.linear.scatter [tilespmem:s8], [sflag:$0x2], $0x4000, $0x38;
	[tilespmem:$0x4080] =	vst v63  }
0x24: {  	_ =	swait.ge [sflag:s7], $0x4000  }
0x25: {  	s13 =	smov.u32 s15;
	s11 =	sadd.s32 $0x800, s11;
	[sflag:s7] =	ssyncset.done $0x0  }
0x26: {  	s12 =	sadd.s32 s12, s6;
	[sflag:s7] =	ssyncadd.s32 $0xFFFFC000  }
0x27: {  	[tilespmem:s3], [sflag:$0x2] =	stream.linear.gather [hbm4b:s12+s3], $0x80, $0x38;
	[tilespmem:$0x4080] =	vst v63  }
0x28: {  	_ =	swait.ge [sflag:s7], $0x80  }
0x29: {  	[sflag:s7] =	ssyncset.done $0x0  }
0x2a: {  	[sflag:s7] =	ssyncadd.s32 $0xFFFFFF80  }
0x2b: {  	[tilespmem:s8], [sflag:$0x1] =	stream.indirect.gather [hbm4b:s1+s8], $0x80, s3, s8, $0xb8;
	[tilespmem:$0x4080] =	vst v63  }
0x2c: {  	s10 =	sadd.s32 $0x1, s10;
	_ =	swait.ge [sflag:s9], $0x4000  }
0x2d: {  	p0 =	sne.s32 s10, s4;
	[sflag:s9] =	ssyncset.done $0x0  }
.Ltmp1:
0x2e: {  	[sflag:s9] =	ssyncadd.s32 $0xFFFFC000;
	(pc) =	sbr.rel @p0 .LBB2_1-.Ltmp1, $4  }
0x2f: {  	[hbm4b:s11+s3] =	stream.linear.scatter [tilespmem:s8], [sflag:$0x2], $0x4000, $0x38;
	[tilespmem:$0x4080] =	vst v63  }
0x30: {  	_ =	swait.ge [sflag:s7], $0x4000  }
0x31: {  	[sflag:s7] =	ssyncset.done $0x0  }
0x32: {  	[sflag:s7] =	ssyncadd.s32 $0xFFFFC000  }
0x33: {  	_ =	sfence.sel $0x180000  }
0x34: {  	[bflag:$0x0] =	sbarrier.arrive $0xFFFF  }
0x35: {  	p0 =	sne.s32 s2, $0x0;
	_ =	strace $0x90000047  }
0x36: {  	s0 =	sadd.s32 @!p0 $0x100000, s0;
	[bflag:$0x2] =	sbarrier.arrive $0xFFFF  }
0x37: {  	[sflag:s0] =	ssyncadd.tile.s32 @!p0 $0x1;
	_ =	shalt  }
.Lfunc_end2:
_tile_overlayer_lowered:
.L_overlay_start_2:
0x38: {  	(tag) =	ssettag $0x2  }
0x39: {  	s0 =	rddreg [dreg:$0x0];
	s2 =	stileid.u32  }
0x3a: {  	s1 =	rddreg [dreg:$0x1];
	p0 =	sne.s32 s2, $0x0  }
0x3b: {  	s3 =	rddreg [dreg:$0x2];
	[bflag:$0x3] =	sbarrier.arrive $0xFFFF;
	s2 =	simm.s32 @!p0 $0x1C02  }
0x3c: {  	[timem:s3], [sflag:s2] =	dma.local @!p0 [hbm:s0], s1  }
0x3d: {  	s0 =	simm.s32 @!p0 $0x2  }
0x3e: {  	_ =	swait.ge @!p0 [sflag:s0], s1  }
0x3f: {  	s1 =	ssub.s32 @!p0 $0x0, s1;
	[sflag:s0] =	ssyncset.done @!p0 $0x0  }
0x40: {  	[sflag:s0] =	ssyncadd.s32 @!p0 s1  }
0x41: {  	[bflag:$0x3] =	sbarrier.arrive $0xFFFF  }
0x42: {  	_ =	shalt  }

</sc_bundles>
